<compile_context>
chip_gen: v7x
topology: tpu7x:2x2x1
jax: 0.10.2.dev20260603
libtpu: 0.0.44.dev20260713+nightly
codegen_flags: <defaults>
</compile_context>

<pallas_src>
import math
import functools

import jax
import jax.numpy as jnp
from jax import lax
from jax.experimental import pallas as pl
from jax.experimental.pallas import tpu as pltpu
from jax.experimental.pallas import tpu_sc as plsc

H_R, W_R = 64, 2048
H_B, W_B = 512, 512
R_MIN, R_MAX = 2.0, 50.0
R_BINS = 30
PHI_MIN, PHI_MAX = -math.pi, math.pi
THETA_MIN, THETA_MAX = math.radians(-25.0), math.radians(3.0)
XMIN, XMAX, YMIN, YMAX = -50.0, 50.0, -50.0, 50.0
BATCH, CHAN = 2, 64
P = H_R * W_R
N = H_B * W_B
QUARTER = N // 4

NUM_CORES = 2
NUM_SUBCORES = 16
NUM_WORKERS = NUM_CORES * NUM_SUBCORES
LANES = 16
VECS_PER_ROW = W_R // LANES
LANE_STRIDE = W_R // LANES


def _cell_body(bin_ref, table_ref, cell_ref):
    b = bin_ref[...]
    res = jnp.full((H_R, W_R), -1, jnp.int32)
    for k in range(R_BINS):
        res = jnp.where(b == k, table_ref[pl.ds(k * H_R, H_R), :], res)
    cell_ref[...] = res


def _compute_cells(bin2d, table):
    return pl.pallas_call(
        _cell_body,
        grid=(BATCH,),
        in_specs=[
            pl.BlockSpec((H_R, W_R), lambda i: (i, 0)),
            pl.BlockSpec((R_BINS * H_R, W_R), lambda i: (0, 0)),
        ],
        out_specs=pl.BlockSpec((H_R, W_R), lambda i: (i, 0)),
        out_shape=jax.ShapeDtypeStruct((BATCH * H_R, W_R), jnp.int32),
    )(bin2d, table)


def _sc_body(feat_hbm, cell_hbm, out_hbm, cell_row, feat_row, acc):
    wid = lax.axis_index("s") * NUM_CORES + lax.axis_index("c")

    def task_loop(t, carry):
        task = wid + NUM_WORKERS * t
        b = task // CHAN
        c = lax.rem(task, CHAN)

        def quarter_loop(q, carry):
            base = q * QUARTER

            def zero_loop(i, carry):
                acc[pl.ds(i * LANES, LANES)] = jnp.zeros((LANES,), jnp.float32)
                return carry

            lax.fori_loop(0, QUARTER // LANES, zero_loop, 0)

            def row_loop(h, carry):
                pltpu.sync_copy(cell_hbm.at[b, pl.ds(h * W_R, W_R)], cell_row)
                pltpu.sync_copy(feat_hbm.at[b, c, pl.ds(h * W_R, W_R)], feat_row)

                def vec_loop(j, carry):
                    gidx = j + lax.iota(jnp.int32, LANES) * LANE_STRIDE
                    cell = plsc.load_gather(cell_row, [gidx])
                    f = plsc.load_gather(feat_row, [gidx])
                    loc = cell - base
                    m = (loc >= 0) & (loc < QUARTER)
                    locc = jnp.minimum(jnp.maximum(loc, 0), QUARTER - 1)
                    old = plsc.load_gather(acc, [locc])
                    plsc.store_scatter(acc, [locc], jnp.maximum(old, f), mask=m)
                    return carry

                lax.fori_loop(0, VECS_PER_ROW, vec_loop, 0)
                return carry

            lax.fori_loop(0, H_R, row_loop, 0)
            pltpu.sync_copy(acc, out_hbm.at[b, c, pl.ds(base, QUARTER)])
            return carry

        lax.fori_loop(0, 4, quarter_loop, 0)
        return carry

    lax.fori_loop(0, (BATCH * CHAN) // NUM_WORKERS, task_loop, 0)


def _sc_scatter_max(feat_flat, cells):
    mesh = plsc.VectorSubcoreMesh(core_axis_name="c", subcore_axis_name="s")
    kfn = functools.partial(
        pl.kernel,
        mesh=mesh,
        out_type=jax.ShapeDtypeStruct((BATCH, CHAN, N), jnp.float32),
        scratch_types=[
            pltpu.VMEM((W_R,), jnp.int32),
            pltpu.VMEM((W_R,), jnp.float32),
            pltpu.VMEM((QUARTER,), jnp.float32),
        ],
        compiler_params=pltpu.CompilerParams(needs_layout_passes=False),
    )(_sc_body)
    return kfn(feat_flat, cells)


def kernel(rv_feat, rv_range_bin):
    bin2d = rv_range_bin.astype(jnp.int32).reshape(BATCH * H_R, W_R)
    dr = (R_MAX - R_MIN) / R_BINS
    r = jnp.arange(R_BINS, dtype=jnp.float32).reshape(R_BINS, 1, 1) * dr + (R_MIN + dr / 2.0)
    theta = jnp.linspace(THETA_MAX, THETA_MIN, H_R, dtype=jnp.float32).reshape(1, H_R, 1)
    phi = jnp.linspace(PHI_MIN, PHI_MAX, W_R, dtype=jnp.float32).reshape(1, 1, W_R)
    x = r * jnp.cos(theta) * jnp.cos(phi)
    y = r * jnp.cos(theta) * jnp.sin(phi)
    u = ((x - XMIN) / (XMAX - XMIN) * (W_B - 1)).astype(jnp.int32)
    v = ((YMAX - y) / (YMAX - YMIN) * (H_B - 1)).astype(jnp.int32)
    valid = (u >= 0) & (u < W_B) & (v >= 0) & (v < H_B)
    table = jnp.where(valid, v * W_B + u, -1).reshape(R_BINS * H_R, W_R)

    cells = _compute_cells(bin2d, table).reshape(BATCH, P)
    feat_flat = rv_feat.reshape(BATCH, CHAN, P)
    out = _sc_scatter_max(feat_flat, cells)
    return out.reshape(BATCH, CHAN, H_B, W_B)

# --- scband reference (transcript-rebuilt; emitter-appended) ---
"""Pipeline reference for scband-rv2-bev-36996848287965 (READ-ONLY COPY).

The authoritative reference and input builder live on the scoring server;
editing this copy changes nothing except your own understanding.
"""

import jax, jax.numpy as jnp
import numpy as np
import math

H_r, W_r = 64, 2048
H_b, W_b = 512, 512
r_min, r_max = 2.0, 50.0
r_bins = 30
phi_min, phi_max = -math.pi, math.pi
theta_min, theta_max = math.radians(-25.0), math.radians(3.0)
xmin, xmax, ymin, ymax = -50.0, 50.0, -50.0, 50.0
B, C = 2, 64


def setup_inputs(seed: int = 0):
    key = jax.random.key(seed)
    k1, k2 = jax.random.split(key)
    rv_feat = jax.random.normal(k1, (B, C, H_r, W_r), dtype=jnp.float32)
    rv_range_bin = jax.random.randint(k2, (B, 1, H_r, W_r), 0, r_bins, dtype=jnp.int64)
    return {"rv_feat": rv_feat, "rv_range_bin": rv_range_bin}


def reference(rv_feat, rv_range_bin):
    dr = (r_max - r_min) / r_bins
    r = rv_range_bin[:, 0].astype(jnp.float32) * dr + (r_min + dr / 2.0)  # (B, H_r, W_r)
    theta = jnp.linspace(theta_max, theta_min, H_r, dtype=jnp.float32).reshape(1, H_r, 1)
    phi = jnp.linspace(phi_min, phi_max, W_r, dtype=jnp.float32).reshape(1, 1, W_r)
    x = r * jnp.cos(theta) * jnp.cos(phi)
    y = r * jnp.cos(theta) * jnp.sin(phi)
    u = ((x - xmin) / (xmax - xmin) * (W_b - 1)).astype(jnp.int32)
    v = ((ymax - y) / (ymax - ymin) * (H_b - 1)).astype(jnp.int32)
    valid = (u >= 0) & (u < W_b) & (v >= 0) & (v < H_b)
    N = H_b * W_b
    idx = v * W_b + u
    idx = jnp.where(valid, idx, N)  # invalid points routed to a dummy slot
    idx_flat = idx.reshape(B, -1)  # (B, H_r*W_r)
    src = rv_feat.reshape(B, C, -1)  # (B, C, H_r*W_r)

    def per_batch(src_b, idx_b):
        out = jnp.zeros((C, N + 1), dtype=src_b.dtype)
        out = out.at[:, idx_b].max(src_b)  # scatter-max into BEV cells
        return out[:, :N].reshape(C, H_b, W_b)

    bev = jax.vmap(per_batch)(src, idx_flat)
    return bev

if __name__ == "__main__":
    import jax
    _d = setup_inputs()
    print(jax.jit(kernel)(*tuple(_d.values())))

</pallas_src>

<mosaic_0001>
#map = affine_map<(d0, d1) -> (0, 0, 0)>
#map1 = affine_map<(d0, d1) -> (0, 0)>
module attributes {stable_mosaic.version = 14 : i64} {
  func.func @_sc_body(%arg0: i32, %arg1: i32, %arg2: memref<2x64x131072xf32, #tpu.memory_space<hbm>>, %arg3: memref<2x131072xi32, #tpu.memory_space<hbm>>, %arg4: memref<2x64x262144xf32, #tpu.memory_space<hbm>>, %arg5: memref<2048xi32, #tpu.memory_space<vmem>>, %arg6: memref<2048xf32, #tpu.memory_space<vmem>>, %arg7: memref<65536xf32, #tpu.memory_space<vmem>>) attributes {dimension_semantics = [#tpu.dimension_semantics<core_parallel>, #tpu.dimension_semantics<subcore_parallel>], iteration_bounds = array<i64: 2, 16>, scalar_prefetch = 0 : i64, scratch_operands = 3 : i64, tpu.core_type = #tpu.core_type<sc_vector_subcore>, window_params = [{transform_indices = #map}, {transform_indices = #map1}, {transform_indices = #map}]} {
    %mul3A = arith.constant 2 : i32
    %mul3A_0 = arith.muli %arg1, %mul3A : i32
    %add3A = arith.addi %mul3A_0, %arg0 : i32
    %scan3A = arith.constant 0 : i32
    %scan3A_1 = arith.constant 0 : i32
    %scan3A_2 = arith.constant 4 : i32
    %scan3A_3 = arith.addi %scan3A_1, %scan3A_2 : i32
    %scan3A_4 = arith.constant 1 : i32
    scf.for %scan3A_6 = %scan3A_1 to %scan3A_3 step %scan3A_4  : i32 {
      %mul3A_7 = arith.constant 32 : i32
      %mul3A_8 = arith.muli %mul3A_7, %scan3A_6 : i32
      %add3A_9 = arith.addi %add3A, %mul3A_8 : i32
      %jit3A = arith.constant 64 : i32
      %div3A = arith.divsi %add3A_9, %jit3A : i32
      %sign3A = arith.constant 0 : i32
      %sign3A_10 = arith.cmpi sgt, %add3A_9, %sign3A : i32
      %sign3A_11 = arith.extui %sign3A_10 : i1 to i32
      %sign3A_12 = arith.constant 0 : i32
      %sign3A_13 = arith.cmpi slt, %add3A_9, %sign3A_12 : i32
      %sign3A_14 = arith.extui %sign3A_13 : i1 to i32
      %sign3A_15 = arith.subi %sign3A_11, %sign3A_14 : i32
      %sign3A_16 = arith.constant 0 : i32
      %sign3A_17 = arith.cmpi sgt, %jit3A, %sign3A_16 : i32
      %sign3A_18 = arith.extui %sign3A_17 : i1 to i32
      %sign3A_19 = arith.constant 0 : i32
      %sign3A_20 = arith.cmpi slt, %jit3A, %sign3A_19 : i32
      %sign3A_21 = arith.extui %sign3A_20 : i1 to i32
      %sign3A_22 = arith.subi %sign3A_18, %sign3A_21 : i32
      %ne3A = arith.cmpi ne, %sign3A_15, %sign3A_22 : i32
      %rem3A = arith.remsi %add3A_9, %jit3A : i32
      %ne3A_23 = arith.constant 0 : i32
      %ne3A_24 = arith.cmpi ne, %rem3A, %ne3A_23 : i32
      %and3A = arith.andi %ne3A, %ne3A_24 : i1
      %sub3A = arith.constant 1 : i32
      %sub3A_25 = arith.subi %div3A, %sub3A : i32
      %select_n3A = arith.select %and3A, %sub3A_25, %div3A : i32
      %rem3A_26 = arith.constant 64 : i32
      %rem3A_27 = arith.remsi %add3A_9, %rem3A_26 : i32
      %scan3A_28 = arith.constant 0 : i32
      %scan3A_29 = arith.constant 0 : i32
      %scan3A_30 = arith.constant 4 : i32
      %scan3A_31 = arith.addi %scan3A_29, %scan3A_30 : i32
      %scan3A_32 = arith.constant 1 : i32
      scf.for %scan3A_34 = %scan3A_29 to %scan3A_31 step %scan3A_32  : i32 {
        %mul3A_35 = arith.constant 65536 : i32
        %mul3A_36 = arith.muli %scan3A_34, %mul3A_35 : i32
        %scan3A_37 = arith.constant 0 : i32
        %scan3A_38 = arith.constant 0 : i32
        %scan3A_39 = arith.constant 4096 : i32
        %scan3A_40 = arith.addi %scan3A_38, %scan3A_39 : i32
        %scan3A_41 = arith.constant 1 : i32
        scf.for %scan3A_49 = %scan3A_38 to %scan3A_40 step %scan3A_41  : i32 {
          %broadcast_in_dim3A = arith.constant 0.000000e+00 : f32
          %broadcast_in_dim3A_50 = vector.broadcast %broadcast_in_dim3A : f32 to vector<16xf32>
          %mul3A_51 = arith.constant 16 : i32
          %mul3A_52 = arith.muli %scan3A_49, %mul3A_51 : i32
          %swap3A = arith.index_cast %mul3A_52 : i32 to index
          %swap3A_53 = tpu.vector_load %arg7[%swap3A] {strides = array<i32>} : memref<65536xf32, #tpu.memory_space<vmem>>, vector<16xf32>,
          tpu.vector_store %arg7[%swap3A], %broadcast_in_dim3A_50 {strides = array<i32>} : memref<65536xf32, #tpu.memory_space<vmem>>, vector<16xf32>,
        }
        %scan3A_42 = arith.constant 4096 : i32
        %scan3A_43 = arith.constant 0 : i32
        %scan3A_44 = arith.constant 0 : i32
        %scan3A_45 = arith.constant 64 : i32
        %scan3A_46 = arith.addi %scan3A_44, %scan3A_45 : i32
        %scan3A_47 = arith.constant 1 : i32
        scf.for %scan3A_49 = %scan3A_44 to %scan3A_46 step %scan3A_47  : i32 {
          %mul3A_50 = arith.constant 2048 : i32
          %mul3A_51 = arith.muli %scan3A_49, %mul3A_50 : i32
          "tpu.region"() ({
            %run_scoped3A = tpu.sem_alloc : memref<!tpu.dma_semaphore, #tpu.memory_space<semaphore_mem>>
            %dma_start3A = tpu.memref_slice %arg3[%select_n3A, %mul3A_51] : memref<2x131072xi32, #tpu.memory_space<hbm>> -> memref<1x2048xi32, #tpu.memory_space<hbm>>
            %dma_start3A_60 = tpu.memref_squeeze %dma_start3A : memref<1x2048xi32, #tpu.memory_space<hbm>> -> memref<2048xi32, #tpu.memory_space<hbm>>
            %dma_start3A_61 = tpu.memref_slice %arg3[%select_n3A, %mul3A_51] : memref<2x131072xi32, #tpu.memory_space<hbm>> -> memref<1x2048xi32, #tpu.memory_space<hbm>>
            %dma_start3A_62 = tpu.memref_squeeze %dma_start3A_61 : memref<1x2048xi32, #tpu.memory_space<hbm>> -> memref<2048xi32, #tpu.memory_space<hbm>>
            tpu.enqueue_dma source(%dma_start3A_62 : memref<2048xi32, #tpu.memory_space<hbm>>) target(%arg5 : memref<2048xi32, #tpu.memory_space<vmem>>) target_semaphore(%run_scoped3A : memref<!tpu.dma_semaphore, #tpu.memory_space<semaphore_mem>>)
            %dma_wait3A = tpu.memref_slice %arg3[%select_n3A, %mul3A_51] : memref<2x131072xi32, #tpu.memory_space<hbm>> -> memref<1x2048xi32, #tpu.memory_space<hbm>>
            %dma_wait3A_63 = tpu.memref_squeeze %dma_wait3A : memref<1x2048xi32, #tpu.memory_space<hbm>> -> memref<2048xi32, #tpu.memory_space<hbm>>
            %dma_wait3A_64 = tpu.memref_slice %arg3[%select_n3A, %mul3A_51] : memref<2x131072xi32, #tpu.memory_space<hbm>> -> memref<1x2048xi32, #tpu.memory_space<hbm>>
            %dma_wait3A_65 = tpu.memref_squeeze %dma_wait3A_64 : memref<1x2048xi32, #tpu.memory_space<hbm>> -> memref<2048xi32, #tpu.memory_space<hbm>>
            tpu.wait_dma2 semaphore(%run_scoped3A : memref<!tpu.dma_semaphore, #tpu.memory_space<semaphore_mem>>) src(%dma_wait3A_65 : memref<2048xi32, #tpu.memory_space<hbm>>) dst(%arg5 : memref<2048xi32, #tpu.memory_space<vmem>>)
            tpu.yield
          }) : () -> ()
          %mul3A_52 = arith.constant 2048 : i32
          %mul3A_53 = arith.muli %scan3A_49, %mul3A_52 : i32
          "tpu.region"() ({
            %run_scoped3A = tpu.sem_alloc : memref<!tpu.dma_semaphore, #tpu.memory_space<semaphore_mem>>
            %dma_start3A = tpu.memref_slice %arg2[%select_n3A, %rem3A_27, %mul3A_53] : memref<2x64x131072xf32, #tpu.memory_space<hbm>> -> memref<1x1x2048xf32, #tpu.memory_space<hbm>>
            %dma_start3A_60 = tpu.memref_squeeze %dma_start3A : memref<1x1x2048xf32, #tpu.memory_space<hbm>> -> memref<2048xf32, #tpu.memory_space<hbm>>
            %dma_start3A_61 = tpu.memref_slice %arg2[%select_n3A, %rem3A_27, %mul3A_53] : memref<2x64x131072xf32, #tpu.memory_space<hbm>> -> memref<1x1x2048xf32, #tpu.memory_space<hbm>>
            %dma_start3A_62 = tpu.memref_squeeze %dma_start3A_61 : memref<1x1x2048xf32, #tpu.memory_space<hbm>> -> memref<2048xf32, #tpu.memory_space<hbm>>
            tpu.enqueue_dma source(%dma_start3A_62 : memref<2048xf32, #tpu.memory_space<hbm>>) target(%arg6 : memref<2048xf32, #tpu.memory_space<vmem>>) target_semaphore(%run_scoped3A : memref<!tpu.dma_semaphore, #tpu.memory_space<semaphore_mem>>)
            %dma_wait3A = tpu.memref_slice %arg2[%select_n3A, %rem3A_27, %mul3A_53] : memref<2x64x131072xf32, #tpu.memory_space<hbm>> -> memref<1x1x2048xf32, #tpu.memory_space<hbm>>
            %dma_wait3A_63 = tpu.memref_squeeze %dma_wait3A : memref<1x1x2048xf32, #tpu.memory_space<hbm>> -> memref<2048xf32, #tpu.memory_space<hbm>>
            %dma_wait3A_64 = tpu.memref_slice %arg2[%select_n3A, %rem3A_27, %mul3A_53] : memref<2x64x131072xf32, #tpu.memory_space<hbm>> -> memref<1x1x2048xf32, #tpu.memory_space<hbm>>
            %dma_wait3A_65 = tpu.memref_squeeze %dma_wait3A_64 : memref<1x1x2048xf32, #tpu.memory_space<hbm>> -> memref<2048xf32, #tpu.memory_space<hbm>>
            tpu.wait_dma2 semaphore(%run_scoped3A : memref<!tpu.dma_semaphore, #tpu.memory_space<semaphore_mem>>) src(%dma_wait3A_65 : memref<2048xf32, #tpu.memory_space<hbm>>) dst(%arg6 : memref<2048xf32, #tpu.memory_space<vmem>>)
            tpu.yield
          }) : () -> ()
          %scan3A_54 = arith.constant 0 : i32
          %scan3A_55 = arith.constant 0 : i32
          %scan3A_56 = arith.constant 128 : i32
          %scan3A_57 = arith.addi %scan3A_55, %scan3A_56 : i32
          %scan3A_58 = arith.constant 1 : i32
          scf.for %scan3A_60 = %scan3A_55 to %scan3A_57 step %scan3A_58  : i32 {
            %iota3A = tpu.iota {dimensions = array<i32: 0>} : vector<16xi32>
            %mul3A_61 = arith.constant 128 : i32
            %mul3A_62 = vector.broadcast %mul3A_61 : i32 to vector<16xi32>
            %mul3A_63 = arith.muli %iota3A, %mul3A_62 : vector<16xi32>
            %add3A_64 = vector.broadcast %scan3A_60 : i32 to vector<16xi32>
            %add3A_65 = arith.addi %add3A_64, %mul3A_63 : vector<16xi32>
            %gather3A = tpu.vector_load_idx %arg5[%add3A_65] : memref<2048xi32, #tpu.memory_space<vmem>>[vector<16xi32>], vector<16xi32>,
            %gather3A_66 = tpu.vector_load_idx %arg6[%add3A_65] : memref<2048xf32, #tpu.memory_space<vmem>>[vector<16xi32>], vector<16xf32>,
            %sub3A_67 = vector.broadcast %mul3A_36 : i32 to vector<16xi32>
            %sub3A_68 = arith.subi %gather3A, %sub3A_67 : vector<16xi32>
            %ge3A = arith.constant 0 : i32
            %ge3A_69 = vector.broadcast %ge3A : i32 to vector<16xi32>
            %ge3A_70 = arith.cmpi sge, %sub3A_68, %ge3A_69 : vector<16xi32>
            %lt3A = arith.constant 65536 : i32
            %lt3A_71 = vector.broadcast %lt3A : i32 to vector<16xi32>
            %lt3A_72 = arith.cmpi slt, %sub3A_68, %lt3A_71 : vector<16xi32>
            %and3A_73 = arith.andi %ge3A_70, %lt3A_72 : vector<16xi1>
            %max3A = arith.constant 0 : i32
            %max3A_74 = vector.broadcast %max3A : i32 to vector<16xi32>
            %max3A_75 = arith.maxsi %sub3A_68, %max3A_74 : vector<16xi32>
            %min3A = arith.constant 65535 : i32
            %min3A_76 = vector.broadcast %min3A : i32 to vector<16xi32>
            %min3A_77 = arith.minsi %max3A_75, %min3A_76 : vector<16xi32>
            %gather3A_78 = tpu.vector_load_idx %arg7[%min3A_77] : memref<65536xf32, #tpu.memory_space<vmem>>[vector<16xi32>], vector<16xf32>,
            %max3A_79 = arith.maximumf %gather3A_78, %gather3A_66 : vector<16xf32>
            tpu.vector_store_idx %arg7[%min3A_77], %max3A_79 masked %and3A_73 : memref<65536xf32, #tpu.memory_space<vmem>>[vector<16xi32>], vector<16xf32>, vector<16xi1>
          }
          %scan3A_59 = arith.constant 128 : i32
        }
        %scan3A_48 = arith.constant 64 : i32
        "tpu.region"() ({
          %run_scoped3A = tpu.sem_alloc : memref<!tpu.dma_semaphore, #tpu.memory_space<semaphore_mem>>
          %dma_start3A = tpu.memref_slice %arg4[%select_n3A, %rem3A_27, %mul3A_36] : memref<2x64x262144xf32, #tpu.memory_space<hbm>> -> memref<1x1x65536xf32, #tpu.memory_space<hbm>>
          %dma_start3A_49 = tpu.memref_squeeze %dma_start3A : memref<1x1x65536xf32, #tpu.memory_space<hbm>> -> memref<65536xf32, #tpu.memory_space<hbm>>
          %dma_start3A_50 = tpu.memref_slice %arg4[%select_n3A, %rem3A_27, %mul3A_36] : memref<2x64x262144xf32, #tpu.memory_space<hbm>> -> memref<1x1x65536xf32, #tpu.memory_space<hbm>>
          %dma_start3A_51 = tpu.memref_squeeze %dma_start3A_50 : memref<1x1x65536xf32, #tpu.memory_space<hbm>> -> memref<65536xf32, #tpu.memory_space<hbm>>
          tpu.enqueue_dma source(%arg7 : memref<65536xf32, #tpu.memory_space<vmem>>) target(%dma_start3A_51 : memref<65536xf32, #tpu.memory_space<hbm>>) target_semaphore(%run_scoped3A : memref<!tpu.dma_semaphore, #tpu.memory_space<semaphore_mem>>)
          %dma_wait3A = tpu.memref_slice %arg4[%select_n3A, %rem3A_27, %mul3A_36] : memref<2x64x262144xf32, #tpu.memory_space<hbm>> -> memref<1x1x65536xf32, #tpu.memory_space<hbm>>
          %dma_wait3A_52 = tpu.memref_squeeze %dma_wait3A : memref<1x1x65536xf32, #tpu.memory_space<hbm>> -> memref<65536xf32, #tpu.memory_space<hbm>>
          %dma_wait3A_53 = tpu.memref_slice %arg4[%select_n3A, %rem3A_27, %mul3A_36] : memref<2x64x262144xf32, #tpu.memory_space<hbm>> -> memref<1x1x65536xf32, #tpu.memory_space<hbm>>
          %dma_wait3A_54 = tpu.memref_squeeze %dma_wait3A_53 : memref<1x1x65536xf32, #tpu.memory_space<hbm>> -> memref<65536xf32, #tpu.memory_space<hbm>>
          tpu.wait_dma2 semaphore(%run_scoped3A : memref<!tpu.dma_semaphore, #tpu.memory_space<semaphore_mem>>) src(%arg7 : memref<65536xf32, #tpu.memory_space<vmem>>) dst(%dma_wait3A_54 : memref<65536xf32, #tpu.memory_space<hbm>>)
          tpu.yield
        }) : () -> ()
      }
      %scan3A_33 = arith.constant 4 : i32
    }
    %scan3A_5 = arith.constant 4 : i32
    return
  }
}

module attributes {stable_mosaic.version = 14 : i64} {
  func.func @_cell_body(%arg0: i32, %arg1: memref<64x2048xi32, #tpu.memory_space<vmem>>, %arg2: memref<1920x2048xi32, #tpu.memory_space<vmem>>, %arg3: memref<64x2048xi32, #tpu.memory_space<vmem>>) attributes {dimension_semantics = [#tpu.dimension_semantics<arbitrary>], iteration_bounds = array<i64: 2>, scalar_prefetch = 0 : i64, scratch_operands = 0 : i64, tpu.core_type = #tpu.core_type<tc>, window_params = [{transform_indices = @transform_0, window_bounds = array<i64: 64, 2048>}, {pipeline_mode = #tpu.pipeline_mode<synchronous>, transform_indices = @transform_1, window_bounds = array<i64: 1920, 2048>}, {transform_indices = @transform_2, window_bounds = array<i64: 64, 2048>}]} {
    %get3A = arith.constant 0 : index
    %get3A_0 = arith.constant 0 : index
    %get3A_1 = vector.load %arg1[%get3A, %get3A_0] : memref<64x2048xi32, #tpu.memory_space<vmem>>, vector<64x2048xi32>
    %broadcast_in_dim3A = arith.constant -1 : i32
    %broadcast_in_dim3A_2 = vector.broadcast %broadcast_in_dim3A : i32 to vector<64x2048xi32>
    %eq3A = arith.constant 0 : i32
    %eq3A_3 = vector.broadcast %eq3A : i32 to vector<64x2048xi32>
    %eq3A_4 = arith.cmpi eq, %get3A_1, %eq3A_3 : vector<64x2048xi32>
    %get3A_5 = arith.constant 0 : index
    %get3A_6 = arith.constant 0 : index
    %get3A_7 = vector.load %arg2[%get3A_5, %get3A_6] : memref<1920x2048xi32, #tpu.memory_space<vmem>>, vector<64x2048xi32>
    %select_n3A = arith.select %eq3A_4, %get3A_7, %broadcast_in_dim3A_2 : vector<64x2048xi1>, vector<64x2048xi32>
    %eq3A_8 = arith.constant 1 : i32
    %eq3A_9 = vector.broadcast %eq3A_8 : i32 to vector<64x2048xi32>
    %eq3A_10 = arith.cmpi eq, %get3A_1, %eq3A_9 : vector<64x2048xi32>
    %get3A_11 = arith.constant 64 : index
    %get3A_12 = arith.constant 0 : index
    %get3A_13 = vector.load %arg2[%get3A_11, %get3A_12] : memref<1920x2048xi32, #tpu.memory_space<vmem>>, vector<64x2048xi32>
    %select_n3A_14 = arith.select %eq3A_10, %get3A_13, %select_n3A : vector<64x2048xi1>, vector<64x2048xi32>
    %eq3A_15 = arith.constant 2 : i32
    %eq3A_16 = vector.broadcast %eq3A_15 : i32 to vector<64x2048xi32>
    %eq3A_17 = arith.cmpi eq, %get3A_1, %eq3A_16 : vector<64x2048xi32>
    %get3A_18 = arith.constant 128 : index
    %get3A_19 = arith.constant 0 : index
    %get3A_20 = vector.load %arg2[%get3A_18, %get3A_19] : memref<1920x2048xi32, #tpu.memory_space<vmem>>, vector<64x2048xi32>
    %select_n3A_21 = arith.select %eq3A_17, %get3A_20, %select_n3A_14 : vector<64x2048xi1>, vector<64x2048xi32>
    %eq3A_22 = arith.constant 3 : i32
    %eq3A_23 = vector.broadcast %eq3A_22 : i32 to vector<64x2048xi32>
    %eq3A_24 = arith.cmpi eq, %get3A_1, %eq3A_23 : vector<64x2048xi32>
    %get3A_25 = arith.constant 192 : index
    %get3A_26 = arith.constant 0 : index
    %get3A_27 = vector.load %arg2[%get3A_25, %get3A_26] : memref<1920x2048xi32, #tpu.memory_space<vmem>>, vector<64x2048xi32>
    %select_n3A_28 = arith.select %eq3A_24, %get3A_27, %select_n3A_21 : vector<64x2048xi1>, vector<64x2048xi32>
    %eq3A_29 = arith.constant 4 : i32
    %eq3A_30 = vector.broadcast %eq3A_29 : i32 to vector<64x2048xi32>
    %eq3A_31 = arith.cmpi eq, %get3A_1, %eq3A_30 : vector<64x2048xi32>
    %get3A_32 = arith.constant 256 : index
    %get3A_33 = arith.constant 0 : index
    %get3A_34 = vector.load %arg2[%get3A_32, %get3A_33] : memref<1920x2048xi32, #tpu.memory_space<vmem>>, vector<64x2048xi32>
    %select_n3A_35 = arith.select %eq3A_31, %get3A_34, %select_n3A_28 : vector<64x2048xi1>, vector<64x2048xi32>
    %eq3A_36 = arith.constant 5 : i32
    %eq3A_37 = vector.broadcast %eq3A_36 : i32 to vector<64x2048xi32>
    %eq3A_38 = arith.cmpi eq, %get3A_1, %eq3A_37 : vector<64x2048xi32>
    %get3A_39 = arith.constant 320 : index
    %get3A_40 = arith.constant 0 : index
    %get3A_41 = vector.load %arg2[%get3A_39, %get3A_40] : memref<1920x2048xi32, #tpu.memory_space<vmem>>, vector<64x2048xi32>
    %select_n3A_42 = arith.select %eq3A_38, %get3A_41, %select_n3A_35 : vector<64x2048xi1>, vector<64x2048xi32>
    %eq3A_43 = arith.constant 6 : i32
    %eq3A_44 = vector.broadcast %eq3A_43 : i32 to vector<64x2048xi32>
    %eq3A_45 = arith.cmpi eq, %get3A_1, %eq3A_44 : vector<64x2048xi32>
    %get3A_46 = arith.constant 384 : index
    %get3A_47 = arith.constant 0 : index
    %get3A_48 = vector.load %arg2[%get3A_46, %get3A_47] : memref<1920x2048xi32, #tpu.memory_space<vmem>>, vector<64x2048xi32>
    %select_n3A_49 = arith.select %eq3A_45, %get3A_48, %select_n3A_42 : vector<64x2048xi1>, vector<64x2048xi32>
    %eq3A_50 = arith.constant 7 : i32
    %eq3A_51 = vector.broadcast %eq3A_50 : i32 to vector<64x2048xi32>
    %eq3A_52 = arith.cmpi eq, %get3A_1, %eq3A_51 : vector<64x2048xi32>
    %get3A_53 = arith.constant 448 : index
    %get3A_54 = arith.constant 0 : index
    %get3A_55 = vector.load %arg2[%get3A_53, %get3A_54] : memref<1920x2048xi32, #tpu.memory_space<vmem>>, vector<64x2048xi32>
    %select_n3A_56 = arith.select %eq3A_52, %get3A_55, %select_n3A_49 : vector<64x2048xi1>, vector<64x2048xi32>
    %eq3A_57 = arith.constant 8 : i32
    %eq3A_58 = vector.broadcast %eq3A_57 : i32 to vector<64x2048xi32>
    %eq3A_59 = arith.cmpi eq, %get3A_1, %eq3A_58 : vector<64x2048xi32>
    %get3A_60 = arith.constant 512 : index
    %get3A_61 = arith.constant 0 : index
    %get3A_62 = vector.load %arg2[%get3A_60, %get3A_61] : memref<1920x2048xi32, #tpu.memory_space<vmem>>, vector<64x2048xi32>
    %select_n3A_63 = arith.select %eq3A_59, %get3A_62, %select_n3A_56 : vector<64x2048xi1>, vector<64x2048xi32>
    %eq3A_64 = arith.constant 9 : i32
    %eq3A_65 = vector.broadcast %eq3A_64 : i32 to vector<64x2048xi32>
    %eq3A_66 = arith.cmpi eq, %get3A_1, %eq3A_65 : vector<64x2048xi32>
    %get3A_67 = arith.constant 576 : index
    %get3A_68 = arith.constant 0 : index
    %get3A_69 = vector.load %arg2[%get3A_67, %get3A_68] : memref<1920x2048xi32, #tpu.memory_space<vmem>>, vector<64x2048xi32>
    %select_n3A_70 = arith.select %eq3A_66, %get3A_69, %select_n3A_63 : vector<64x2048xi1>, vector<64x2048xi32>
    %eq3A_71 = arith.constant 10 : i32
    %eq3A_72 = vector.broadcast %eq3A_71 : i32 to vector<64x2048xi32>
    %eq3A_73 = arith.cmpi eq, %get3A_1, %eq3A_72 : vector<64x2048xi32>
    %get3A_74 = arith.constant 640 : index
    %get3A_75 = arith.constant 0 : index
    %get3A_76 = vector.load %arg2[%get3A_74, %get3A_75] : memref<1920x2048xi32, #tpu.memory_space<vmem>>, vector<64x2048xi32>
    %select_n3A_77 = arith.select %eq3A_73, %get3A_76, %select_n3A_70 : vector<64x2048xi1>, vector<64x2048xi32>
    %eq3A_78 = arith.constant 11 : i32
    %eq3A_79 = vector.broadcast %eq3A_78 : i32 to vector<64x2048xi32>
    %eq3A_80 = arith.cmpi eq, %get3A_1, %eq3A_79 : vector<64x2048xi32>
    %get3A_81 = arith.constant 704 : index
    %get3A_82 = arith.constant 0 : index
    %get3A_83 = vector.load %arg2[%get3A_81, %get3A_82] : memref<1920x2048xi32, #tpu.memory_space<vmem>>, vector<64x2048xi32>
    %select_n3A_84 = arith.select %eq3A_80, %get3A_83, %select_n3A_77 : vector<64x2048xi1>, vector<64x2048xi32>
    %eq3A_85 = arith.constant 12 : i32
    %eq3A_86 = vector.broadcast %eq3A_85 : i32 to vector<64x2048xi32>
    %eq3A_87 = arith.cmpi eq, %get3A_1, %eq3A_86 : vector<64x2048xi32>
    %get3A_88 = arith.constant 768 : index
    %get3A_89 = arith.constant 0 : index
    %get3A_90 = vector.load %arg2[%get3A_88, %get3A_89] : memref<1920x2048xi32, #tpu.memory_space<vmem>>, vector<64x2048xi32>
    %select_n3A_91 = arith.select %eq3A_87, %get3A_90, %select_n3A_84 : vector<64x2048xi1>, vector<64x2048xi32>
    %eq3A_92 = arith.constant 13 : i32
    %eq3A_93 = vector.broadcast %eq3A_92 : i32 to vector<64x2048xi32>
    %eq3A_94 = arith.cmpi eq, %get3A_1, %eq3A_93 : vector<64x2048xi32>
    %get3A_95 = arith.constant 832 : index
    %get3A_96 = arith.constant 0 : index
    %get3A_97 = vector.load %arg2[%get3A_95, %get3A_96] : memref<1920x2048xi32, #tpu.memory_space<vmem>>, vector<64x2048xi32>
    %select_n3A_98 = arith.select %eq3A_94, %get3A_97, %select_n3A_91 : vector<64x2048xi1>, vector<64x2048xi32>
    %eq3A_99 = arith.constant 14 : i32
    %eq3A_100 = vector.broadcast %eq3A_99 : i32 to vector<64x2048xi32>
    %eq3A_101 = arith.cmpi eq, %get3A_1, %eq3A_100 : vector<64x2048xi32>
    %get3A_102 = arith.constant 896 : index
    %get3A_103 = arith.constant 0 : index
    %get3A_104 = vector.load %arg2[%get3A_102, %get3A_103] : memref<1920x2048xi32, #tpu.memory_space<vmem>>, vector<64x2048xi32>
    %select_n3A_105 = arith.select %eq3A_101, %get3A_104, %select_n3A_98 : vector<64x2048xi1>, vector<64x2048xi32>
    %eq3A_106 = arith.constant 15 : i32
    %eq3A_107 = vector.broadcast %eq3A_106 : i32 to vector<64x2048xi32>
    %eq3A_108 = arith.cmpi eq, %get3A_1, %eq3A_107 : vector<64x2048xi32>
    %get3A_109 = arith.constant 960 : index
    %get3A_110 = arith.constant 0 : index
    %get3A_111 = vector.load %arg2[%get3A_109, %get3A_110] : memref<1920x2048xi32, #tpu.memory_space<vmem>>, vector<64x2048xi32>
    %select_n3A_112 = arith.select %eq3A_108, %get3A_111, %select_n3A_105 : vector<64x2048xi1>, vector<64x2048xi32>
    %eq3A_113 = arith.constant 16 : i32
    %eq3A_114 = vector.broadcast %eq3A_113 : i32 to vector<64x2048xi32>
    %eq3A_115 = arith.cmpi eq, %get3A_1, %eq3A_114 : vector<64x2048xi32>
    %get3A_116 = arith.constant 1024 : index
    %get3A_117 = arith.constant 0 : index
    %get3A_118 = vector.load %arg2[%get3A_116, %get3A_117] : memref<1920x2048xi32, #tpu.memory_space<vmem>>, vector<64x2048xi32>
    %select_n3A_119 = arith.select %eq3A_115, %get3A_118, %select_n3A_112 : vector<64x2048xi1>, vector<64x2048xi32>
    %eq3A_120 = arith.constant 17 : i32
    %eq3A_121 = vector.broadcast %eq3A_120 : i32 to vector<64x2048xi32>
    %eq3A_122 = arith.cmpi eq, %get3A_1, %eq3A_121 : vector<64x2048xi32>
    %get3A_123 = arith.constant 1088 : index
    %get3A_124 = arith.constant 0 : index
    %get3A_125 = vector.load %arg2[%get3A_123, %get3A_124] : memref<1920x2048xi32, #tpu.memory_space<vmem>>, vector<64x2048xi32>
    %select_n3A_126 = arith.select %eq3A_122, %get3A_125, %select_n3A_119 : vector<64x2048xi1>, vector<64x2048xi32>
    %eq3A_127 = arith.constant 18 : i32
    %eq3A_128 = vector.broadcast %eq3A_127 : i32 to vector<64x2048xi32>
    %eq3A_129 = arith.cmpi eq, %get3A_1, %eq3A_128 : vector<64x2048xi32>
    %get3A_130 = arith.constant 1152 : index
    %get3A_131 = arith.constant 0 : index
    %get3A_132 = vector.load %arg2[%get3A_130, %get3A_131] : memref<1920x2048xi32, #tpu.memory_space<vmem>>, vector<64x2048xi32>
    %select_n3A_133 = arith.select %eq3A_129, %get3A_132, %select_n3A_126 : vector<64x2048xi1>, vector<64x2048xi32>
    %eq3A_134 = arith.constant 19 : i32
    %eq3A_135 = vector.broadcast %eq3A_134 : i32 to vector<64x2048xi32>
    %eq3A_136 = arith.cmpi eq, %get3A_1, %eq3A_135 : vector<64x2048xi32>
    %get3A_137 = arith.constant 1216 : index
    %get3A_138 = arith.constant 0 : index
    %get3A_139 = vector.load %arg2[%get3A_137, %get3A_138] : memref<1920x2048xi32, #tpu.memory_space<vmem>>, vector<64x2048xi32>
    %select_n3A_140 = arith.select %eq3A_136, %get3A_139, %select_n3A_133 : vector<64x2048xi1>, vector<64x2048xi32>
    %eq3A_141 = arith.constant 20 : i32
    %eq3A_142 = vector.broadcast %eq3A_141 : i32 to vector<64x2048xi32>
    %eq3A_143 = arith.cmpi eq, %get3A_1, %eq3A_142 : vector<64x2048xi32>
    %get3A_144 = arith.constant 1280 : index
    %get3A_145 = arith.constant 0 : index
    %get3A_146 = vector.load %arg2[%get3A_144, %get3A_145] : memref<1920x2048xi32, #tpu.memory_space<vmem>>, vector<64x2048xi32>
    %select_n3A_147 = arith.select %eq3A_143, %get3A_146, %select_n3A_140 : vector<64x2048xi1>, vector<64x2048xi32>
    %eq3A_148 = arith.constant 21 : i32
    %eq3A_149 = vector.broadcast %eq3A_148 : i32 to vector<64x2048xi32>
    %eq3A_150 = arith.cmpi eq, %get3A_1, %eq3A_149 : vector<64x2048xi32>
    %get3A_151 = arith.constant 1344 : index
    %get3A_152 = arith.constant 0 : index
    %get3A_153 = vector.load %arg2[%get3A_151, %get3A_152] : memref<1920x2048xi32, #tpu.memory_space<vmem>>, vector<64x2048xi32>
    %select_n3A_154 = arith.select %eq3A_150, %get3A_153, %select_n3A_147 : vector<64x2048xi1>, vector<64x2048xi32>
    %eq3A_155 = arith.constant 22 : i32
    %eq3A_156 = vector.broadcast %eq3A_155 : i32 to vector<64x2048xi32>
    %eq3A_157 = arith.cmpi eq, %get3A_1, %eq3A_156 : vector<64x2048xi32>
    %get3A_158 = arith.constant 1408 : index
    %get3A_159 = arith.constant 0 : index
    %get3A_160 = vector.load %arg2[%get3A_158, %get3A_159] : memref<1920x2048xi32, #tpu.memory_space<vmem>>, vector<64x2048xi32>
    %select_n3A_161 = arith.select %eq3A_157, %get3A_160, %select_n3A_154 : vector<64x2048xi1>, vector<64x2048xi32>
    %eq3A_162 = arith.constant 23 : i32
    %eq3A_163 = vector.broadcast %eq3A_162 : i32 to vector<64x2048xi32>
    %eq3A_164 = arith.cmpi eq, %get3A_1, %eq3A_163 : vector<64x2048xi32>
    %get3A_165 = arith.constant 1472 : index
    %get3A_166 = arith.constant 0 : index
    %get3A_167 = vector.load %arg2[%get3A_165, %get3A_166] : memref<1920x2048xi32, #tpu.memory_space<vmem>>, vector<64x2048xi32>
    %select_n3A_168 = arith.select %eq3A_164, %get3A_167, %select_n3A_161 : vector<64x2048xi1>, vector<64x2048xi32>
    %eq3A_169 = arith.constant 24 : i32
    %eq3A_170 = vector.broadcast %eq3A_169 : i32 to vector<64x2048xi32>
    %eq3A_171 = arith.cmpi eq, %get3A_1, %eq3A_170 : vector<64x2048xi32>
    %get3A_172 = arith.constant 1536 : index
    %get3A_173 = arith.constant 0 : index
    %get3A_174 = vector.load %arg2[%get3A_172, %get3A_173] : memref<1920x2048xi32, #tpu.memory_space<vmem>>, vector<64x2048xi32>
    %select_n3A_175 = arith.select %eq3A_171, %get3A_174, %select_n3A_168 : vector<64x2048xi1>, vector<64x2048xi32>
    %eq3A_176 = arith.constant 25 : i32
    %eq3A_177 = vector.broadcast %eq3A_176 : i32 to vector<64x2048xi32>
    %eq3A_178 = arith.cmpi eq, %get3A_1, %eq3A_177 : vector<64x2048xi32>
    %get3A_179 = arith.constant 1600 : index
    %get3A_180 = arith.constant 0 : index
    %get3A_181 = vector.load %arg2[%get3A_179, %get3A_180] : memref<1920x2048xi32, #tpu.memory_space<vmem>>, vector<64x2048xi32>
    %select_n3A_182 = arith.select %eq3A_178, %get3A_181, %select_n3A_175 : vector<64x2048xi1>, vector<64x2048xi32>
    %eq3A_183 = arith.constant 26 : i32
    %eq3A_184 = vector.broadcast %eq3A_183 : i32 to vector<64x2048xi32>
    %eq3A_185 = arith.cmpi eq, %get3A_1, %eq3A_184 : vector<64x2048xi32>
    %get3A_186 = arith.constant 1664 : index
    %get3A_187 = arith.constant 0 : index
    %get3A_188 = vector.load %arg2[%get3A_186, %get3A_187] : memref<1920x2048xi32, #tpu.memory_space<vmem>>, vector<64x2048xi32>
    %select_n3A_189 = arith.select %eq3A_185, %get3A_188, %select_n3A_182 : vector<64x2048xi1>, vector<64x2048xi32>
    %eq3A_190 = arith.constant 27 : i32
    %eq3A_191 = vector.broadcast %eq3A_190 : i32 to vector<64x2048xi32>
    %eq3A_192 = arith.cmpi eq, %get3A_1, %eq3A_191 : vector<64x2048xi32>
    %get3A_193 = arith.constant 1728 : index
    %get3A_194 = arith.constant 0 : index
    %get3A_195 = vector.load %arg2[%get3A_193, %get3A_194] : memref<1920x2048xi32, #tpu.memory_space<vmem>>, vector<64x2048xi32>
    %select_n3A_196 = arith.select %eq3A_192, %get3A_195, %select_n3A_189 : vector<64x2048xi1>, vector<64x2048xi32>
    %eq3A_197 = arith.constant 28 : i32
    %eq3A_198 = vector.broadcast %eq3A_197 : i32 to vector<64x2048xi32>
    %eq3A_199 = arith.cmpi eq, %get3A_1, %eq3A_198 : vector<64x2048xi32>
    %get3A_200 = arith.constant 1792 : index
    %get3A_201 = arith.constant 0 : index
    %get3A_202 = vector.load %arg2[%get3A_200, %get3A_201] : memref<1920x2048xi32, #tpu.memory_space<vmem>>, vector<64x2048xi32>
    %select_n3A_203 = arith.select %eq3A_199, %get3A_202, %select_n3A_196 : vector<64x2048xi1>, vector<64x2048xi32>
    %eq3A_204 = arith.constant 29 : i32
    %eq3A_205 = vector.broadcast %eq3A_204 : i32 to vector<64x2048xi32>
    %eq3A_206 = arith.cmpi eq, %get3A_1, %eq3A_205 : vector<64x2048xi32>
    %get3A_207 = arith.constant 1856 : index
    %get3A_208 = arith.constant 0 : index
    %get3A_209 = vector.load %arg2[%get3A_207, %get3A_208] : memref<1920x2048xi32, #tpu.memory_space<vmem>>, vector<64x2048xi32>
    %select_n3A_210 = arith.select %eq3A_206, %get3A_209, %select_n3A_203 : vector<64x2048xi1>, vector<64x2048xi32>
    %swap3A = arith.constant 0 : index
    %swap3A_211 = arith.constant 0 : index
    %swap3A_212 = vector.load %arg3[%swap3A, %swap3A_211] : memref<64x2048xi32, #tpu.memory_space<vmem>>, vector<64x2048xi32>
    tpu.vector_store %arg3[%swap3A, %swap3A_211], %select_n3A_210 {strides = array<i32>} : memref<64x2048xi32, #tpu.memory_space<vmem>>, vector<64x2048xi32>,
    return
  }
  func.func @transform_0(%arg0: i32) -> (i32, i32) {
    %c0_i32 = arith.constant 0 : i32
    %c0_i32_0 = arith.constant 0 : i32
    return %arg0, %c0_i32 : i32, i32
  }
  func.func @transform_1(%arg0: i32) -> (i32, i32) {
    %c0_i32 = arith.constant 0 : i32
    %c0_i32_0 = arith.constant 0 : i32
    %c0_i32_1 = arith.constant 0 : i32
    return %c0_i32, %c0_i32_0 : i32, i32
  }
  func.func @transform_2(%arg0: i32) -> (i32, i32) {
    %c0_i32 = arith.constant 0 : i32
    %c0_i32_0 = arith.constant 0 : i32
    return %arg0, %c0_i32 : i32, i32
  }
}

</mosaic_0001>

<sc_bundles>
// kernel: kernel.4.cloned.1.call-start
scs
__scs_entry_jumppad:
0x0: {  	(pc) =	sbr.rel $0x88, $3  }
0x1: {  	(tag) =	ssettag $0x0;
	lr =	simm.s32 $0x1  }
0x2: {  	[smem:$0x3F9F] =	sst lr;
	_ =	strace $0xD0000000  }
0x3: {  	_ = 	snop  }
0x4: {  	_ = 	snop  }
0x5: {  	_ = 	snop  }
0x6: {  	_ = 	snop  }
0x7: {  	_ = 	snop  }
__scs_overlays_trampoline_lowered:
0x8: {  	[smem:$0x3FAE] =	sst s0  }
0x9: {  	[smem:$0x3FAF] =	sst s1  }
0xa: {  	[smem:$0x3FB0] =	sst s2  }
0xb: {  	[smem:$0x3FB1] =	sst s3  }
0xc: {  	[smem:$0x3FB2] =	sst s4  }
0xd: {  	[smem:$0x3FB3] =	sst s5  }
0xe: {  	[smem:$0x3FB4] =	sst s6  }
0xf: {  	[smem:$0x3FB5] =	sst s7  }
0x10: {  	[smem:$0x3FB6] =	sst s8  }
0x11: {  	[smem:$0x3FB7] =	sst s9;
	s0 =	simm.s32 @!p0 $0x0  }
0x12: {  	s1 =	sld [smem:$0x3F9D];
	s0 =	simm.s32 @p0 $0x1  }
0x13: {  	[smem:$0x3FB8] =	sst s0;
	s0 =	simm.s32 @!p1 $0x0  }
0x14: {  	s2 =	sld [smem:$0x3F9C];
	s0 =	simm.s32 @p1 $0x1  }
0x15: {  	[smem:$0x3FB9] =	sst s0;
	s0 =	simm.s32 @!p2 $0x0  }
0x16: {  	s3 =	sld [smem:$0x3FDB];
	s0 =	simm.s32 @p2 $0x1  }
0x17: {  	s4 =	simm.s32 $0x1BF5;
	[smem:$0x3FBB] =	sst s0  }
0x18: {  	s0 =	sld [smem:$0x3F9E];
	_ =	swait.ge [sflag:s4], $0x0  }
0x19: {  	s7 =	sld [smem:$0x3F9F]  }
0x1a: {  	s8 =	sadd.s32 $0xFFFFE003, lr  }
0x1b: {  	s9 =	sadd.s32 $0xFFFFFEF7, lr;
	s5 =	simm.s32 $0xFFFFFFFF;
	p2 =	slt.u32 s8, $0xFFFFF086  }
0x1c: {  	p1 =	slt.u32 s9, $0xF7A;
	s5 =	simm.s32 @!p2 $0x0  }
0x1d: {  	s5 =	simm.s32 @p1 $0x1;
	p0 =	seq.s32 s7, s2  }
0x1e: {  	s7 =	smul.u32 @!p0 $0xF7A, s2;
	p2 =	seq.s32 @!p0 s5, $0x0  }
0x1f: {  	s9 =	smul.u32 $0xF7A, s1;
	s8 =	simm.s32 @!p0 $0x1BF5;
	p2 =	por !p2, p0  }
0x20: {  	[sflag:s8] =	ssyncset.s32 @!p0 $0xFFFFF086;
	s6 =	sadd.s32 @!p0 s3, s7;
	s7 =	simm.s32 @!p0 $0x108  }
0x21: {  	s3 =	sadd.s32 s3, s9;
	s6 =	sadd.s32 @!p0 $0x88, s6;
	s7 =	simm.s32 @p2 $0x1082  }
0x22: {  	[simem:s7], [sflag:s8] =	dma.local @!p0 [hbm:s6], $0xF7A  }
0x23: {  	s9 =	sor.u32 $0xD0000000, s2;
	s6 =	simm.s32 $0x108;
	_ =	swait.ge @!p0 [sflag:s8], $0x0  }
0x24: {  	s3 =	sadd.s32 $0x88, s3;
	s6 =	simm.s32 @!p1 $0x1082;
	[sflag:s4] =	ssyncset.s32 $0xFFFFF086  }
0x25: {  	[simem:s6], [sflag:s4] =	dma.local [hbm:s3], $0xF7A  }
0x26: {  	[smem:$0x3F9F] =	sst s1;
	(tag) =	ssettag s2;
	_ =	strace s9  }
0x27: {  	s1 =	sld [smem:$0x3FAF]  }
0x28: {  	s2 =	sld [smem:$0x3FB0]  }
0x29: {  	s4 =	sld [smem:$0x3FB2]  }
0x2a: {  	p0 =	seq.s32 s5, $0x0;
	s5 =	sld [smem:$0x3FB3]  }
0x2b: {  	s6 =	sld [smem:$0x3FB4]  }
0x2c: {  	s7 =	sld [smem:$0x3FB5]  }
0x2d: {  	s3 =	simm.s32 $0x108;
	s8 =	sld [smem:$0x3FB6]  }
0x2e: {  	s3 =	simm.s32 @!p0 $0x1082;
	s9 =	sld [smem:$0x3FB7]  }
0x2f: {  	lr =	sadd.s32 s0, s3;
	s0 =	sld [smem:$0x3FAE]  }
0x30: {  	s3 =	sld [smem:$0x3FB1]  }
0x31: {  	[smem:$0x3FBA] =	sst s10  }
0x32: {  	s10 =	sld [smem:$0x3FB8];
	_ =	sdelay $0x3  }
0x33: {  	p0 =	seq.s32 s10, $0x1;
	s10 =	sld [smem:$0x3FBA];
	_ =	sdelay $0x3  }
0x34: {  	[smem:$0x3FBA] =	sst s10  }
0x35: {  	s10 =	sld [smem:$0x3FB9];
	_ =	sdelay $0x3  }
0x36: {  	p1 =	seq.s32 s10, $0x1;
	s10 =	sld [smem:$0x3FBA];
	_ =	sdelay $0x3  }
0x37: {  	[smem:$0x3FBA] =	sst s10  }
0x38: {  	s10 =	sld [smem:$0x3FBB]  }
0x39: {  	_ = 	snop;
	(pc) =	sbr.ind lr, $3  }
0x3a: {  	_ = 	snop  }
0x3b: {  	_ = 	snop  }
0x3c: {  	p2 =	seq.s32 s10, $0x1;
	s10 =	sld [smem:$0x3FBA]  }
0x3d: {  	_ =	shalt  }
0x3e: {  	_ =	shalt  }
0x3f: {  	_ =	shalt  }
0x40: {  	_ =	shalt  }
0x41: {  	_ =	shalt  }
0x42: {  	_ =	shalt  }
0x43: {  	_ =	shalt  }
0x44: {  	_ =	shalt  }
0x45: {  	_ =	shalt  }
0x46: {  	_ =	shalt  }
0x47: {  	_ =	shalt  }
0x48: {  	_ =	shalt  }
0x49: {  	_ =	shalt  }
0x4a: {  	_ =	shalt  }
0x4b: {  	_ =	shalt  }
0x4c: {  	_ =	shalt  }
0x4d: {  	_ =	shalt  }
0x4e: {  	_ =	shalt  }
0x4f: {  	_ =	shalt  }
0x50: {  	_ =	shalt  }
0x51: {  	_ =	shalt  }
0x52: {  	_ =	shalt  }
0x53: {  	_ =	shalt  }
0x54: {  	_ =	shalt  }
0x55: {  	_ =	shalt  }
0x56: {  	_ =	shalt  }
0x57: {  	_ =	shalt  }
0x58: {  	_ =	shalt  }
0x59: {  	_ =	shalt  }
0x5a: {  	_ =	shalt  }
0x5b: {  	_ =	shalt  }
0x5c: {  	_ =	shalt  }
0x5d: {  	_ =	shalt  }
0x5e: {  	_ =	shalt  }
0x5f: {  	_ =	shalt  }
0x60: {  	_ =	shalt  }
0x61: {  	_ =	shalt  }
0x62: {  	_ =	shalt  }
0x63: {  	_ =	shalt  }
0x64: {  	_ =	shalt  }
0x65: {  	_ =	shalt  }
0x66: {  	_ =	shalt  }
0x67: {  	_ =	shalt  }
0x68: {  	_ =	shalt  }
0x69: {  	_ =	shalt  }
0x6a: {  	_ =	shalt  }
0x6b: {  	_ =	shalt  }
0x6c: {  	_ =	shalt  }
0x6d: {  	_ =	shalt  }
0x6e: {  	_ =	shalt  }
0x6f: {  	_ =	shalt  }
0x70: {  	_ =	shalt  }
0x71: {  	_ =	shalt  }
0x72: {  	_ =	shalt  }
0x73: {  	_ =	shalt  }
0x74: {  	_ =	shalt  }
0x75: {  	_ =	shalt  }
0x76: {  	_ =	shalt  }
0x77: {  	_ =	shalt  }
0x78: {  	_ =	shalt  }
0x79: {  	_ =	shalt  }
0x7a: {  	_ =	shalt  }
0x7b: {  	_ =	shalt  }
0x7c: {  	_ =	shalt  }
0x7d: {  	_ =	shalt  }
0x7e: {  	_ =	shalt  }
0x7f: {  	_ =	shalt  }
0x80: {  	_ =	shalt  }
0x81: {  	_ =	shalt  }
0x82: {  	_ =	shalt  }
0x83: {  	_ =	shalt  }
0x84: {  	_ =	shalt  }
0x85: {  	_ =	shalt  }
0x86: {  	_ =	shalt  }
0x87: {  	_ =	shalt  }
.Lfunc_end0:
.L_simem_size_0:
called_computation.1_lowered:
.L_overlay_start_0:
0x88: {  	s2 =	sld [smem:$0x3FD9]  }
0x89: {  	s3 =	sld [smem:$0x3FFE];
	_ =	sdelay $0x1  }
0x8a: {  	s1 =	srdreg.scid  }
0x8b: {  	s0 =	sand.u32 $0x1, s1  }
0x8c: {  	s17 =	sshll.u32 s0, $0xA;
	s2 =	sadd.s32 s3, s2  }
0x8d: {  	s2 =	sadd.s32 s2, s17  }
0x8e: {  	[smem:$0x3FC6] =	sst s2  }
0x8f: {  	_ = 	snop  }
0x90: {  	s2 =	sld [smem:$0x3FD0];
	(tm) =	ssettm $0x1  }
0x91: {  	s18 =	sld [smem:$0x3FFB];
	_ =	sdelay $0x3  }
0x92: {  	_ =	strace s18  }
0x93: {  	s3 =	sld [smem:$0x3FFC];
	_ =	sdelay $0x3  }
0x94: {  	_ =	strace s3  }
0x95: {  	s3 =	sld [smem:$0x3FFD];
	_ =	sdelay $0x3  }
0x96: {  	_ =	strace s3  }
0x97: {  	_ =	strace $0x8FFFFFFF  }
0x98: {  	s19 =	sld [smem:$0x3FDB];
	_ =	sdelay $0x1  }
0x99: {  	s4 =	simm.s32 $_scs_section_size  }
0x9a: {  	s5 =	simm.s32 $_size__tile_overlayer_lowered;
	s6 =	simm.s32 $_tile_overlayer_lowered  }
0x9b: {  	s22 =	simm.s32 $0x1BFF;
	s21 =	sshll.u32 s6, $0x1;
	s3 =	sadd.s32 s4, s19  }
0x9c: {  	s7 =	simm.s32 $0x0;
	s20 =	sshll.u32 s5, $0x1;
	s5 =	sadd.s32 s21, s3  }
0x9d: {  	[timem:s7], [sflag:s22] =	dma.local [hbm:s5], s20  }
0x9e: {  	_ =	swait.ge [sflag:s22], s20  }
0x9f: {  	s4 =	ssub.s32 $0x0, s20;
	[sflag:s22] =	ssyncset.done $0x0  }
0xa0: {  	[sflag:s22] =	ssyncadd.s32 s4;
	_ =	sdelay $0x1  }
0xa1: {  	s23 =	simm.s32 $0x1B8B  }
0xa2: {  	_ =	swait.ge [sflag:s23], $0x1  }
0xa3: {  	[sflag:s23] =	ssyncset.done $0x0  }
0xa4: {  	s25 =	simm.s32 $0x1B8E;
	s24 =	sld [smem:$0x3FFE];
	[sflag:s23] =	ssyncadd.s32 $0xFFFFFFFF  }
0xa5: {  	s26 =	simm.s32 $execute0_lowered;
	[smem:$0x3FD2] =	sst s25  }
0xa6: {  	s5 =	sshll.u32 s26, $0x1;
	_ =	strace $0x80000046;
	[dreg:$0x1] =	wrdreg $0xFFFFFFFF  }
0xa7: {  	s28 =	simm.s32 $_size_execute0_lowered;
	s3 =	sadd.s32 s3, s5;
	[dreg:$0x0] =	wrdreg $0x0  }
0xa8: {  	s5 =	sshll.u32 s28, $0x1;
	[dreg:$0x2] =	wrdreg s3  }
0xa9: {  	[dreg:$0x3] =	wrdreg s5  }
0xaa: {  	[dreg:$0x4] =	wrdreg $0xC0  }
0xab: {  	_ =	task [dreg:s7], $0x5FFFF  }
0xac: {  	[dreg:$0x1] =	wrdreg $0xFFFFFFFF  }
0xad: {  	[dreg:$0x0] =	wrdreg $0x60  }
0xae: {  	[dreg:$0x2] =	wrdreg s2  }
0xaf: {  	[dreg:$0x3] =	wrdreg s24  }
0xb0: {  	[dreg:$0x4] =	wrdreg $0x9  }
0xb1: {  	_ =	task.clear_ibuf [dreg:s7], $0x5FFFF;
	_ =	strace $0x90000046  }
0xb2: {  	s29 =	simm.s32 $0x9;
	_ =	strace $0x80000048  }
0xb3: {  	_ =	swait.ge [sflag:s29], $0x1  }
0xb4: {  	[sflag:s29] =	ssyncadd.s32 $0xFFFFFFFF  }
0xb5: {  	_ =	strace $0x90000048  }
0xb6: {  	_ =	sfence  }
0xb7: {  	s30 =	sld [smem:$0x0];
	_ =	sdelay $0x2  }
0xb8: {  	s31 =	sshll.u32 s1, $0xD;
	s1 =	sshrl.u32 s1, $0x2  }
0xb9: {  	s3 =	sand.u32 $0x4000, s31;
	s1 =	sadd.s32 s1, s30  }
0xba: {  	s0 =	sor.u32 s3, s0;
	s1 =	sshll.u32 s1, $0x11  }
0xbb: {  	s0 =	sor.u32 s1, s0  }
0xbc: {  	s0 =	sadd.s32 $0x8F2B, s0  }
0xbd: {  	[sflag:s0] =	ssyncadd.remote.s32 $0x1  }
0xbe: {  	_ =	sfence.sel $0xFFFF  }
0xbf: {  	[dreg:$0x0] =	wrdreg $0xFFFFFFFF;
	(pc) =	sbr.abs _section_cstart, $3  }
0xc0: {  	[dreg:$0x1] =	wrdreg $0xFFFFFFFF  }
0xc1: {  	_ =	task.clear_ibuf [dreg:s7], $0x2FFFF;
	_ =	strace $0x9FFFFFFF  }
0xc2: {  	(tm) =	ssettm $0x7FFFFFFF  }
0xc3: {  	_ =	shalt  }
tec
execute0_lowered:
.L_overlay_start_1:
0x0: {  	(tag) =	ssettag $0x1  }
0x1: {  	s1 =	rddreg [dreg:$0x0]  }
0x2: {  	s6 =	rddreg [dreg:$0x1]  }
0x3: {  	s0 =	rddreg [dreg:$0x2];
	s3 =	simm.s32 $0x0;
	s2 =	srdreg.scid  }
0x4: {  	s10 =	simm.s32 $0x100;
	s11 =	simm.s32 $0x1;
	s12 =	simm.s32 $0x400  }
0x5: {  	s13 =	simm.s32 $0x800;
	s14 =	simm.s32 $0x1000;
	s15 =	simm.s32 $0x0  }
0x6: {  	[smem:$0x7FF] =	sst s3;
	s7 =	sand.u32 $0x1, s2;
	s2 =	stileid.u32  }
0x7: {  	s5 =	sadd.s32 $0x800, s6;
	s8 =	ssub.s32 $0x2, s7;
	s4 =	sshll.u32 s2, $0x1  }
0x8: {  	s6 =	sadd.s32 $0x8800, s6;
	s9 =	sshrl.u32 s8, $0x1;
	s7 =	sor.u32 s7, s4  }
0x9: {  	v1 =	vlaneseq.u32;
	_ =	strace $0x80000047;
	s8 =	ssub.s32 s8, s9;
	s31 =	sshll.u32 s7, $0x4  }
0xa: {  	v0 =	vimm.f32 $0.0e+00;
	v1 =	vmul.u32 $0x80, v1;
	s9 =	simm.s32 $0x80;
	s7 =	smax.u32 s8, $0x1;
	s8 =	sand.u32 $0x70, s31  }
.LBB2_1:
0xb: {  	s16 =	simm.s32 $0x0  }
.LBB2_2:
0xc: {  	s17 =	sshll.u32 s16, $0x5;
	s18 =	sshrl.u32 s16, $0x1  }
0xd: {  	s17 =	sand.u32 $0x20, s17;
	s19 =	sshll.u32 s18, $0x4  }
0xe: {  	s20 =	sshll.u32 s18, $0x14;
	s18 =	sshll.u32 s18, $0x15;
	s17 =	sor.u32 s4, s17  }
0xf: {  	s20 =	sadd.s32 s1, s20;
	s21 =	sshll.u32 s17, $0xE;
	s17 =	sshll.u32 s17, $0xF  }
0x10: {  	s18 =	sadd.s32 s6, s18;
	s21 =	sand.u32 $0xE0000, s21;
	s22 =	sand.u32 $0x1C0000, s17  }
0x11: {  	s17 =	sadd.s32 s5, s19;
	s30 =	sadd.s32 s21, s20;
	s31 =	sadd.s32 s22, s18  }
0x12: {  	s20 =	simm.s32 $0x0;
	s18 =	sadd.s32 s8, s30;
	s19 =	sadd.s32 s8, s31  }
.LBB2_3:
0x13: {  	s21 =	simm.s32 $0x40;
	s22 =	simm.s32 $0x0  }
.LBB2_4:
0x14: {  	p0 =	seq.s32 s21, $0x3FFC0;
	[tilespmem:s22+$0x1000] =	vst v0;
	s22 =	smov.u32 s21;
	s21 =	sadd.s32 $0x40, s21  }
.Ltmp0:
0x15: {  	(pc) =	sbr.rel @!p0 .LBB2_4-.Ltmp0, $2  }
0x16: {  	_ =	sdelay $0x2  }
0x17: {  	s22 =	sshra.s32 s22, $0x2  }
0x18: {  	s21 =	sshll.u32 s20, $0x10  }
0x19: {  	[tilespmem:s22+$0x1000] =	vst v0;
	s22 =	simm.s32 $0x0;
	s23 =	simm.s32 $0x0;
	v2 =	vmov s21  }
.LBB2_6:
0x1a: {  	s24 =	sshll.u32 s23, $0x9  }
0x1b: {  	s24 =	sadd.s32 s24, s17  }
0x1c: {  	[tilespmem:s22], [sflag:$0x1] =	stream.strided.gather [hbm4b:s24+s9], $0x800, s10, s9, $0x38;
	[tilespmem:$0x11000] =	vst v63  }
0x1d: {  	_ =	swait.ge [sflag:s11], $0x800  }
0x1e: {  	s30 =	sshll.u32 s23, $0xB;
	[sflag:s11] =	ssyncset.done $0x0  }
0x1f: {  	v3 =	vor.u32 s22, v1;
	s24 =	sadd.s32 s30, s18;
	[sflag:s11] =	ssyncadd.s32 $0xFFFFF800  }
0x20: {  	[tilespmem:s13], [sflag:$0x1] =	stream.strided.gather [hbm4b:s24+s9], $0x800, s12, s9, $0x38;
	[tilespmem:$0x11000] =	vst v63  }
0x21: {  	_ =	swait.ge [sflag:s11], $0x800  }
0x22: {  	[sflag:s11] =	ssyncset.done $0x0  }
0x23: {  	[sflag:s11] =	ssyncadd.s32 $0xFFFFF800  }
0x24: {  	v4 =	vld.idx.msk [tilespmem:v3+s3+$0x0], $0xffff;
	_ =	sdelay $0x4  }
0x25: {  	v7 =	vsub.s32 v4, v2  }
0x26: {  	vm0 =	vgt.s32 v7, $0x0  }
0x27: {  	v4 =	vnsel vm0, $0x0, v7  }
0x28: {  	v4 =	vmin.u32 v4, $0xFFFF;
	_ =	sdelay $0x3  }
0x29: {  	v5 =	vld.idx.msk [tilespmem:v3+s13+$0x0], $0xffff  }
0x2a: {  	vm0 =	vlt.u32 v7, $0x10000;
	v6 =	vld.idx.msk [tilespmem:v4+s14+$0x0], $0xffff  }
0x2b: {  	s31 =	simm.s32 $0x1  }
0x2c: {  	s24 =	simm.s32 $0x2;
	v3 =	vor.u32 s31, v1  }
.LBB2_7:
0x2d: {  	p0 =	sne.s32 s24, $0x7F;
	_ =	sdelay $0x1  }
0x2e: {  	v5 =	vmax.f32 v6, v5  }
0x2f: {  	[tilespmem:v4+s14+$0x0] =	vst.idx.msk vm0, v5  }
0x30: {  	v4 =	vld.idx.msk [tilespmem:v3+s3+$0x0], $0xffff;
	_ =	sdelay $0x5  }
0x31: {  	v7 =	vsub.s32 v4, v2  }
0x32: {  	vm0 =	vgt.s32 v7, $0x0  }
0x33: {  	v4 =	vnsel vm0, $0x0, v7  }
0x34: {  	v4 =	vmin.u32 v4, $0xFFFF;
	_ =	sdelay $0x3  }
.Ltmp1:
0x35: {  	v5 =	vld.idx.msk [tilespmem:v3+s13+$0x0], $0xffff;
	(pc) =	sbr.rel @p0 .LBB2_7-.Ltmp1, $3  }
0x36: {  	v6 =	vld.idx.msk [tilespmem:v4+s14+$0x0], $0xffff  }
0x37: {  	vm0 =	vlt.u32 v7, $0x10000;
	_ =	sdelay $0x1  }
0x38: {  	v3 =	vor.u32 s24, v1;
	s24 =	sadd.s32 $0x1, s24  }
0x39: {  	_ =	sdelay $0x3  }
0x3a: {  	v5 =	vmax.f32 v6, v5  }
0x3b: {  	[tilespmem:v4+s14+$0x0] =	vst.idx.msk vm0, v5  }
0x3c: {  	v4 =	vld.idx.msk [tilespmem:v3+s3+$0x0], $0xffff;
	_ =	sdelay $0x4  }
0x3d: {  	v4 =	vsub.s32 v4, v2  }
0x3e: {  	vm14 =	vgt.s32 v4, $0x0  }
0x3f: {  	v62 =	vnsel vm14, $0x0, v4  }
0x40: {  	v5 =	vmin.u32 v62, $0xFFFF;
	_ =	sdelay $0x3  }
0x41: {  	v3 =	vld.idx.msk [tilespmem:v3+s13+$0x0], $0xffff  }
0x42: {  	s23 =	sadd.s32 $0x1, s23;
	vm15 =	vlt.u32 v4, $0x10000;
	v63 =	vld.idx.msk [tilespmem:v5+s14+$0x0], $0xffff  }
0x43: {  	p0 =	sne.s32 s23, $0x40  }
.Ltmp2:
0x44: {  	_ = 	snop;
	(pc) =	sbr.rel @p0 .LBB2_6-.Ltmp2, $3  }
0x45: {  	_ =	sdelay $0x1  }
0x46: {  	v3 =	vmax.f32 v63, v3  }
0x47: {  	[tilespmem:v5+s14+$0x0] =	vst.idx.msk vm15, v3  }
0x48: {  	s20 =	sadd.s32 $0x1, s20  }
0x49: {  	p0 =	sne.s32 s20, $0x4  }
.Ltmp3:
0x4a: {  	s21 =	sadd.s32 s21, s19;
	(pc) =	sbr.rel @p0 .LBB2_3-.Ltmp3, $4  }
0x4b: {  	[hbm4b:s21+s9] =	stream.strided.scatter [tilespmem:s14], [sflag:$0x1], $0x10000, s12, s9, $0x38;
	[tilespmem:$0x11000] =	vst v63  }
0x4c: {  	_ =	swait.ge [sflag:s11], $0x10000  }
0x4d: {  	[sflag:s11] =	ssyncset.done $0x0  }
0x4e: {  	[sflag:s11] =	ssyncadd.s32 $0xFFFF0000  }
0x4f: {  	s16 =	sadd.s32 $0x1, s16  }
0x50: {  	p0 =	sne.s32 s16, $0x4  }
.Ltmp4:
0x51: {  	_ = 	snop;
	(pc) =	sbr.rel @p0 .LBB2_2-.Ltmp4, $1  }
0x52: {  	_ =	sdelay $0x3  }
0x53: {  	s15 =	sadd.s32 $0x1, s15  }
0x54: {  	p0 =	sne.s32 s15, s7  }
.Ltmp5:
0x55: {  	_ = 	snop;
	(pc) =	sbr.rel @p0 .LBB2_1-.Ltmp5, $1  }
0x56: {  	_ =	sdelay $0x3  }
0x57: {  	_ =	sfence.sel $0x180000  }
0x58: {  	[bflag:$0x0] =	sbarrier.arrive $0xFFFF  }
0x59: {  	p0 =	sne.s32 s2, $0x0;
	_ =	strace $0x90000047  }
0x5a: {  	s0 =	sadd.s32 @!p0 $0x100000, s0;
	[bflag:$0x2] =	sbarrier.arrive $0xFFFF  }
0x5b: {  	[sflag:s0] =	ssyncadd.tile.s32 @!p0 $0x1;
	_ =	shalt  }
.Lfunc_end2:
_tile_overlayer_lowered:
.L_overlay_start_2:
0x5c: {  	(tag) =	ssettag $0x2  }
0x5d: {  	s0 =	rddreg [dreg:$0x0];
	s2 =	stileid.u32  }
0x5e: {  	s1 =	rddreg [dreg:$0x1];
	p0 =	sne.s32 s2, $0x0  }
0x5f: {  	s3 =	rddreg [dreg:$0x2];
	[bflag:$0x3] =	sbarrier.arrive $0xFFFF;
	s2 =	simm.s32 @!p0 $0x1C01  }
0x60: {  	[timem:s3], [sflag:s2] =	dma.local @!p0 [hbm:s0], s1  }
0x61: {  	s0 =	simm.s32 @!p0 $0x1  }
0x62: {  	_ =	swait.ge @!p0 [sflag:s0], s1  }
0x63: {  	s1 =	ssub.s32 @!p0 $0x0, s1;
	[sflag:s0] =	ssyncset.done @!p0 $0x0  }
0x64: {  	[sflag:s0] =	ssyncadd.s32 @!p0 s1  }
0x65: {  	[bflag:$0x3] =	sbarrier.arrive $0xFFFF  }
0x66: {  	_ =	shalt  }

// kernel: sparse-core-data-format-call.cloned.1.call-start
scs
called_computation_lowered:
.L_overlay_start_0:
0x0: {  	s2 =	sld [smem:$0x3FD9]  }
0x1: {  	s3 =	sld [smem:$0x3FFE];
	_ =	sdelay $0x1  }
0x2: {  	s1 =	srdreg.scid  }
0x3: {  	s0 =	sand.u32 $0x1, s1  }
0x4: {  	s18 =	sshll.u32 s0, $0xA;
	s2 =	sadd.s32 s3, s2  }
0x5: {  	s2 =	sadd.s32 s2, s18  }
0x6: {  	[smem:$0x3FC6] =	sst s2  }
0x7: {  	_ = 	snop  }
0x8: {  	s2 =	sld [smem:$0x3FD0];
	(tm) =	ssettm $0x1  }
0x9: {  	s19 =	sld [smem:$0x3FFB];
	_ =	sdelay $0x3  }
0xa: {  	_ =	strace s19  }
0xb: {  	s3 =	sld [smem:$0x3FFC];
	_ =	sdelay $0x3  }
0xc: {  	_ =	strace s3  }
0xd: {  	s3 =	sld [smem:$0x3FFD];
	_ =	sdelay $0x3  }
0xe: {  	_ =	strace s3  }
0xf: {  	_ =	strace $0x8FFFFFFF  }
0x10: {  	s20 =	sld [smem:$0x3FDB];
	_ =	sdelay $0x1  }
0x11: {  	s4 =	simm.s32 $_scs_section_size  }
0x12: {  	s5 =	simm.s32 $_size__tile_overlayer_lowered;
	s6 =	simm.s32 $_tile_overlayer_lowered  }
0x13: {  	s23 =	simm.s32 $0x1BFF;
	s22 =	sshll.u32 s6, $0x1;
	s3 =	sadd.s32 s4, s20  }
0x14: {  	s7 =	simm.s32 $0x0;
	s21 =	sshll.u32 s5, $0x1;
	s5 =	sadd.s32 s22, s3  }
0x15: {  	[timem:s7], [sflag:s23] =	dma.local [hbm:s5], s21  }
0x16: {  	_ =	swait.ge [sflag:s23], s21  }
0x17: {  	s4 =	ssub.s32 $0x0, s21;
	[sflag:s23] =	ssyncset.done $0x0  }
0x18: {  	[sflag:s23] =	ssyncadd.s32 s4;
	_ =	sdelay $0x1  }
0x19: {  	s24 =	simm.s32 $0x1B8B  }
0x1a: {  	_ =	swait.ge [sflag:s24], $0x1  }
0x1b: {  	[sflag:s24] =	ssyncset.done $0x0  }
0x1c: {  	s26 =	simm.s32 $0x1B8E;
	s25 =	sld [smem:$0x3FFE];
	[sflag:s24] =	ssyncadd.s32 $0xFFFFFFFF  }
0x1d: {  	s27 =	simm.s32 $execute0_lowered;
	[smem:$0x3FD2] =	sst s26  }
0x1e: {  	s5 =	sshll.u32 s27, $0x1;
	_ =	strace $0x80000049;
	[dreg:$0x1] =	wrdreg $0xFFFFFFFF  }
0x1f: {  	s28 =	simm.s32 $_size_execute0_lowered;
	s3 =	sadd.s32 s3, s5;
	[dreg:$0x0] =	wrdreg $0x0  }
0x20: {  	s5 =	sshll.u32 s28, $0x1;
	[dreg:$0x2] =	wrdreg s3  }
0x21: {  	[dreg:$0x3] =	wrdreg s5  }
0x22: {  	[dreg:$0x4] =	wrdreg $0xC0  }
0x23: {  	_ =	task [dreg:s7], $0x5FFFF  }
0x24: {  	[dreg:$0x1] =	wrdreg $0xFFFFFFFF  }
0x25: {  	[dreg:$0x0] =	wrdreg $0x60  }
0x26: {  	[dreg:$0x2] =	wrdreg s25  }
0x27: {  	[dreg:$0x3] =	wrdreg s2  }
0x28: {  	[dreg:$0x4] =	wrdreg $0x9  }
0x29: {  	_ =	task.clear_ibuf [dreg:s7], $0x5FFFF;
	_ =	strace $0x90000049  }
0x2a: {  	s29 =	simm.s32 $0x9;
	_ =	strace $0x8000004B  }
0x2b: {  	_ =	swait.ge [sflag:s29], $0x1  }
0x2c: {  	[sflag:s29] =	ssyncadd.s32 $0xFFFFFFFF  }
0x2d: {  	_ =	strace $0x9000004B  }
0x2e: {  	_ =	sfence  }
0x2f: {  	s30 =	sld [smem:$0x0];
	_ =	sdelay $0x2  }
0x30: {  	s31 =	sshll.u32 s1, $0xD;
	s1 =	sshrl.u32 s1, $0x2  }
0x31: {  	s3 =	sand.u32 $0x4000, s31;
	s1 =	sadd.s32 s1, s30  }
0x32: {  	s0 =	sor.u32 s3, s0;
	s1 =	sshll.u32 s1, $0x11  }
0x33: {  	s0 =	sor.u32 s1, s0  }
0x34: {  	s0 =	sadd.s32 $0x8F2B, s0  }
0x35: {  	[sflag:s0] =	ssyncadd.remote.s32 $0x1  }
0x36: {  	_ =	sfence.sel $0xFFFF  }
0x37: {  	[dreg:$0x0] =	wrdreg $0xFFFFFFFF;
	(pc) =	sbr.abs _section_cstart, $3  }
0x38: {  	[dreg:$0x1] =	wrdreg $0xFFFFFFFF  }
0x39: {  	_ =	task.clear_ibuf [dreg:s7], $0x2FFFF;
	_ =	strace $0x9FFFFFFF  }
0x3a: {  	(tm) =	ssettm $0x7FFFFFFF  }
0x3b: {  	_ =	shalt  }
tec
execute0_lowered:
.L_overlay_start_1:
0x0: {  	(tag) =	ssettag $0x1  }
0x1: {  	s0 =	rddreg [dreg:$0x0];
	s2 =	srdreg.scid  }
0x2: {  	s1 =	rddreg [dreg:$0x1];
	_ =	strace $0x8000004A;
	s4 =	simm.s32 $0x1  }
0x3: {  	s6 =	simm.s32 $0x2;
	s15 =	simm.s32 $0x0;
	s8 =	simm.s32 $0x40000  }
0x4: {  	s9 =	simm.s32 $0x0;
	s16 =	simm.s32 $0x0;
	s18 =	simm.s32 $0x0  }
0x5: {  	s17 =	simm.s32 $0x0;
	s10 =	simm.s32 $0x0;
	s2 =	sshll.u32 s2, $0x3  }
0x6: {  	s11 =	simm.s32 $0x0;
	s13 =	stileid.u32;
	s2 =	sand.u32 $0x8, s2  }
.Ltmp0:
0x7: {  	s14 =	simm.s32 $0x0;
	s3 =	ssub.s32 $0x200, s2;
	(pc) =	sbr.rel .LBB1_1-.Ltmp0, $4  }
0x8: {  	s24 =	simm.s32 $0x0;
	s5 =	sadd.s32 $0x8800, s0;
	s31 =	sshrl.u32 s3, $0x3  }
0x9: {  	[sflag:s4] =	ssyncpa.u1 $0x0;
	s7 =	sshrl.u32 s3, $0x4;
	s0 =	sand.u32 $0x1, s31  }
0xa: {  	[sflag:s6] =	ssyncpa.u1 $0x0;
	s12 =	smov.u32 s2;
	s0 =	sadd.s32 s7, s0  }
0xb: {  	s3 =	stileid.u32;
	s6 =	sshll.u32 s0, $0x1;
	s7 =	sshllo.u32 s0, $0x1  }
.LBB1_7:
0xc: {  	s0 =	sadd.s32 $0x100, s10  }
0xd: {  	s15 =	sadd.s32 $0x8, s11;
	s19 =	smov.u32 s11;
	p1 =	sgt.s32 s0, $0x1FF  }
0xe: {  	s19 =	smov.u32 @p1 s15  }
0xf: {  	s20 =	smov.u32 s12;
	s15 =	sadd.s32 $0x10, s12;
	p2 =	sgt.s32 s19, $0x7  }
0x10: {  	s20 =	smov.u32 @p2 s15  }
0x11: {  	s21 =	smov.u32 s13;
	s15 =	sadd.s32 $0x10, s13;
	p3 =	sgt.s32 s20, $0x1FF  }
0x12: {  	p0 =	slt.u32 s14, $0x2;
	s21 =	smov.u32 @p3 s15  }
0x13: {  	s16 =	smov.u32 s11;
	s0 =	simm.s32 @p1 $0x0;
	p1 =	sgt.s32 s21, $0xF  }
0x14: {  	s22 =	simm.s32 @!p0 $0x2;
	s21 =	smov.u32 @p1 s3;
	p1 =	sne.s32 s14, s7  }
.Ltmp1:
0x15: {  	s18 =	smov.u32 s12;
	_ =	swait.ge @!p0 [sflag:s22], $0x4000;
	(pc) =	sbr.rel @!p1 .LBB1_8-.Ltmp1, $4  }
0x16: {  	s17 =	smov.u32 s13;
	[sflag:s22] =	ssyncset.done @!p0 $0x0;
	s19 =	simm.s32 @p2 $0x0  }
0x17: {  	s9 =	sadd.s32 $0x4000, s9;
	[sflag:s22] =	ssyncadd.s32 @!p0 $0xFFFFC000;
	s11 =	smov.u32 s19  }
0x18: {  	s20 =	smov.u32 @p3 s2;
	s15 =	smov.u32 s10;
	s10 =	smov.u32 s0  }
0x19: {  	s12 =	smov.u32 s20;
	s14 =	sadd.s32 $0x1, s14;
	s13 =	smov.u32 s21  }
.LBB1_1:
0x1a: {  	p0 =	sge.u32 s14, s6  }
0x1b: {  	s31 =	sadd.s32 $0xFFFFFFFF, s14;
	s0 =	sxor.u32 @!p0 $0xFFFFFFFF, s14;
	s19 =	sshll.u32 @!p0 s10, $0x3  }
0x1c: {  	s20 =	sshll.u32 @!p0 s11, $0x7;
	s21 =	sand.u32 @!p0 $0x78, s10;
	s22 =	sshll.u32 @!p0 s13, $0x12  }
0x1d: {  	s23 =	sshll.u32 @!p0 s12, $0x9;
	s0 =	sshll.u32 @!p0 s0, $0xE;
	s20 =	sand.u32 @!p0 $0x380, s20  }
0x1e: {  	s19 =	sand.u32 @!p0 $0xC00, s19;
	s0 =	sand.u32 @!p0 $0x4000, s0;
	s20 =	sor.u32 @!p0 s21, s20  }
0x1f: {  	s21 =	sand.u32 @!p0 $0x7, s10;
	s19 =	sor.u32 @!p0 s19, s20;
	s20 =	sadd.s32 @!p0 s5, s22  }
0x20: {  	s21 =	sshll.u32 @!p0 s21, $0x12;
	s19 =	sshrl.u32 @!p0 s19, $0x3;
	s20 =	sadd.s32 @!p0 s23, s20  }
0x21: {  	s19 =	sadd.s32 @!p0 s19, s20;
	s20 =	sor.u32 @!p0 $0x800, s21;
	s21 =	simm.s32 @!p0 $0x1000  }
0x22: {  	[tilespmem:s0], [sflag:$0x1] =	stream.strided.gather @!p0 [hbm4b:s19+s20], $0x4000, s21, s20, $0x38;
	[tilespmem:$0x10000] =	vst v63  }
0x23: {  	p0 =	sge.u32 s31, s6  }
.Ltmp2:
0x24: {  	_ = 	snop;
	(pc) =	sbr.rel @p0 .LBB1_7-.Ltmp2, $1  }
0x25: {  	_ =	sdelay $0x3  }
0x26: {  	s0 =	sshll.u32 s9, $0x2;
	_ =	swait.ge [sflag:s4], $0x4000;
	s19 =	sshll.u32 s14, $0xE  }
0x27: {  	p0 =	por $0x0, $0x0;
	s25 =	simm.s32 $0x0;
	s26 =	simm.s32 $0x0  }
0x28: {  	s0 =	sand.u32 $0x10000, s0;
	[sflag:s4] =	ssyncset.done $0x0;
	s22 =	sand.u32 $0x4000, s19  }
0x29: {  	s0 =	sshrl.u32 s0, $0x2;
	[sflag:s4] =	ssyncadd.s32 $0xFFFFC000;
	s19 =	sor.u32 $0x8000, s22  }
0x2a: {  	s20 =	sor.u32 $0x40, s0;
	s21 =	sor.u32 $0x8410, s0;
	s23 =	sadd.s32 $0x8400, s0  }
.LBB1_3:
0x2b: {  	v1 =	vld [tilespmem:s20+$0xFFFFFFD0]  }
0x2c: {  	v2 =	vld [tilespmem:s20+$0x430]  }
0x2d: {  	s0 =	sshll.u32 s26, $0xB;
	v4 =	vld [tilespmem:s20+$0xFFFFFFE0]  }
0x2e: {  	v7 =	vld [tilespmem:s20+$0xFFFFFFF0];
	v0 =	vmov s0  }
0x2f: {  	v8 =	vld [tilespmem:s20+$0x0]  }
0x30: {  	v9 =	vld [tilespmem:s20+$0x10];
	s0 =	sand.u32 $0x300, s24  }
0x31: {  	s27 =	sand.u32 $0x80, s24;
	v10 =	vld [tilespmem:s20+$0x20];
	s0 =	sadd.s32 s0, s22  }
0x32: {  	v11 =	vld [tilespmem:s20+$0x30];
	s0 =	sadd.s32 s27, s0;
	s27 =	simm.s32 $0x1;
	[tilespmem:s21+$0x60] =	vst v2  }
0x33: {  	s27 =	simm.s32 @!p0 $0x0;
	[tilespmem:s21+$0xFFFFFC00] =	vst v1;
	v3 =	vld.idx.msk [tilespmem:v0+s0+$0x400 ss:$0x1], $0xffff;
	s0 =	sshll.u32 s25, $0x2  }
0x34: {  	v6 =	vld [tilespmem:s20+$0x3D0];
	s27 =	sshll.u32 s27, $0x9;
	[tilespmem:s21+$0xFFFFFC10] =	vst v4;
	s0 =	sand.u32 $0xFFFFFC00, s0  }
0x35: {  	v5 =	vld [tilespmem:s20+$0x3E0];
	[tilespmem:s21+$0xFFFFFC20] =	vst v7;
	s0 =	sor.u32 s27, s0  }
0x36: {  	[tilespmem:s21+$0xFFFFFC30] =	vst v8;
	v4 =	vld [tilespmem:s20+$0x400];
	s0 =	sshrl.u32 s0, $0x2  }
0x37: {  	[tilespmem:s21+$0xFFFFFC40] =	vst v9;
	v1 =	vld [tilespmem:s20+$0x410];
	s27 =	sadd.s32 s0, s23  }
0x38: {  	[tilespmem:s27+$0x0] =	vst v3;
	v3 =	vld [tilespmem:s20+$0x3F0]  }
0x39: {  	s31 =	simm.s32 $0x80;
	s30 =	simm.s32 $0x100;
	[tilespmem:s21+$0xFFFFFC50] =	vst v10;
	v2 =	vld [tilespmem:s20+$0x420]  }
0x3a: {  	s28 =	sadd.s32 $0x80, s20;
	s29 =	smov.u32 s21;
	v7 =	vld [tilespmem:s20+$0xFFFFFFC0];
	[tilespmem:s21+$0xFFFFFC60] =	vst v11;
	s0 =	sand.u32 $0x300, s31  }
.LBB1_4:
0x3b: {  	p1 =	sne.s32 s30, $0x380;
	v8 =	vld [tilespmem:s28+$0xFFFFFFD0];
	s31 =	sand.u32 $0x80, s31;
	s0 =	sadd.s32 s0, s22;
	[tilespmem:s29+$0x0] =	vst v6  }
0x3c: {  	s0 =	sadd.s32 s31, s0;
	v6 =	vld [tilespmem:s28+$0x430];
	[tilespmem:s29+$0x10] =	vst v5;
	s31 =	smov.u32 s30  }
0x3d: {  	v5 =	vld.idx.msk [tilespmem:v0+s0+$0x400 ss:$0x1], $0xffff;
	[tilespmem:s29+$0x20] =	vst v3  }
0x3e: {  	v3 =	vld [tilespmem:s28+$0xFFFFFFE0];
	[tilespmem:s29+$0x30] =	vst v4  }
0x3f: {  	v4 =	vld [tilespmem:s28+$0xFFFFFFF0];
	[tilespmem:s29+$0xFFFFFBF0] =	vst v7  }
0x40: {  	v7 =	vld [tilespmem:s28+$0x0];
	[tilespmem:s29+$0x40] =	vst v1  }
0x41: {  	v1 =	vld [tilespmem:s28+$0x10];
	[tilespmem:s29+$0x50] =	vst v2;
	s29 =	sadd.s32 $0x800, s29  }
0x42: {  	s27 =	sadd.s32 $0x800, s27;
	v2 =	vld [tilespmem:s28+$0x20];
	[tilespmem:s29+$0x60] =	vst v6  }
0x43: {  	v9 =	vld [tilespmem:s28+$0x30];
	[tilespmem:s27+$0x0] =	vst v5  }
0x44: {  	[tilespmem:s29+$0xFFFFFC00] =	vst v8;
	v6 =	vld [tilespmem:s28+$0x3D0]  }
0x45: {  	[tilespmem:s29+$0xFFFFFC10] =	vst v3;
	v5 =	vld [tilespmem:s28+$0x3E0]  }
.Ltmp3:
0x46: {  	[tilespmem:s29+$0xFFFFFC20] =	vst v4;
	v3 =	vld [tilespmem:s28+$0x3F0];
	(pc) =	sbr.rel @p1 .LBB1_4-.Ltmp3, $4  }
0x47: {  	[tilespmem:s29+$0xFFFFFC30] =	vst v7;
	v4 =	vld [tilespmem:s28+$0x400]  }
0x48: {  	[tilespmem:s29+$0xFFFFFC40] =	vst v1;
	v1 =	vld [tilespmem:s28+$0x410]  }
0x49: {  	[tilespmem:s29+$0xFFFFFC50] =	vst v2;
	v2 =	vld [tilespmem:s28+$0x420]  }
0x4a: {  	s30 =	sadd.s32 $0x80, s30;
	s0 =	sand.u32 $0x300, s31;
	v7 =	vld [tilespmem:s28+$0xFFFFFFC0];
	[tilespmem:s29+$0xFFFFFC60] =	vst v9;
	s28 =	sadd.s32 $0x80, s28  }
0x4b: {  	[tilespmem:s29+$0x0] =	vst v6  }
0x4c: {  	[tilespmem:s29+$0x10] =	vst v5  }
0x4d: {  	v49 =	vld [tilespmem:s28+$0x430];
	[tilespmem:s29+$0x20] =	vst v3  }
0x4e: {  	v50 =	vld [tilespmem:s28+$0xFFFFFFD0];
	[tilespmem:s29+$0x30] =	vst v4  }
0x4f: {  	v51 =	vld [tilespmem:s28+$0xFFFFFFE0];
	[tilespmem:s29+$0x40] =	vst v1  }
0x50: {  	v52 =	vld [tilespmem:s28+$0xFFFFFFF0];
	[tilespmem:s29+$0x50] =	vst v2  }
0x51: {  	s30 =	sand.u32 $0x80, s31;
	s31 =	sadd.s32 $0x800, s29;
	v53 =	vld [tilespmem:s28+$0x0];
	[tilespmem:s29+$0xFFFFFBF0] =	vst v7  }
0x52: {  	v54 =	vld [tilespmem:s28+$0x10];
	[tilespmem:s31+$0x60] =	vst v49  }
0x53: {  	v55 =	vld [tilespmem:s28+$0x20];
	[tilespmem:s31+$0xFFFFFC00] =	vst v50  }
0x54: {  	v56 =	vld [tilespmem:s28+$0x30];
	[tilespmem:s31+$0xFFFFFC10] =	vst v51  }
0x55: {  	v57 =	vld [tilespmem:s28+$0x3D0];
	[tilespmem:s31+$0xFFFFFC20] =	vst v52  }
0x56: {  	v58 =	vld [tilespmem:s28+$0x3E0];
	[tilespmem:s31+$0xFFFFFC30] =	vst v53  }
0x57: {  	v59 =	vld [tilespmem:s28+$0x3F0];
	[tilespmem:s31+$0xFFFFFC40] =	vst v54  }
0x58: {  	v60 =	vld [tilespmem:s28+$0x400];
	[tilespmem:s31+$0xFFFFFC50] =	vst v55  }
0x59: {  	v61 =	vld [tilespmem:s28+$0xFFFFFFC0];
	[tilespmem:s31+$0xFFFFFC60] =	vst v56  }
0x5a: {  	s0 =	sadd.s32 s0, s22;
	v62 =	vld [tilespmem:s28+$0x410];
	[tilespmem:s31+$0x0] =	vst v57  }
0x5b: {  	v63 =	vld [tilespmem:s28+$0x420];
	s26 =	sadd.s32 $0x1, s26;
	s0 =	sadd.s32 s30, s0;
	[tilespmem:s31+$0x10] =	vst v58  }
0x5c: {  	p1 =	sne.s32 s26, $0x8;
	v0 =	vld.idx.msk [tilespmem:v0+s0+$0x400 ss:$0x1], $0xffff;
	[tilespmem:s31+$0x20] =	vst v59  }
.Ltmp4:
0x5d: {  	[tilespmem:s31+$0x30] =	vst v60;
	(pc) =	sbr.rel @p1 .LBB1_3-.Ltmp4, $4  }
0x5e: {  	[tilespmem:s31+$0xFFFFFBF0] =	vst v61  }
0x5f: {  	[tilespmem:s31+$0x40] =	vst v62  }
0x60: {  	s27 =	sadd.s32 $0x800, s27;
	s20 =	sadd.s32 $0x800, s20;
	[tilespmem:s31+$0x50] =	vst v63  }
0x61: {  	s25 =	sadd.s32 $0x80, s25;
	p0 =	por !p0, !p0;
	s21 =	sadd.s32 $0x80, s21;
	[tilespmem:s27+$0x0] =	vst v0  }
0x62: {  	s0 =	sand.u32 $0x78, s15  }
0x63: {  	s20 =	sshll.u32 s18, $0x9;
	s21 =	sshll.u32 s15, $0x3;
	s27 =	sshll.u32 s18, $0x7  }
0x64: {  	s17 =	sshll.u32 s17, $0x12;
	s16 =	sshll.u32 s16, $0xF;
	s30 =	sand.u32 $0x7, s15  }
0x65: {  	s20 =	sand.u32 $0x3F000, s20;
	s21 =	sand.u32 $0x3FC00, s21;
	s28 =	sand.u32 $0x200, s27  }
0x66: {  	s18 =	sand.u32 $0x180, s27;
	s17 =	sadd.s32 s1, s17;
	s20 =	sadd.s32 s20, s21  }
.Ltmp5:
0x67: {  	s0 =	sor.u32 s18, s0;
	s20 =	sor.u32 s28, s20;
	(pc) =	sbr.rel .LBB1_7-.Ltmp5, $4  }
0x68: {  	s16 =	sadd.s32 s16, s17;
	s0 =	sshrl.u32 s0, $0x3;
	s29 =	sshrl.u32 s20, $0x3  }
0x69: {  	s15 =	sshll.u32 s30, $0x12;
	s0 =	sadd.s32 s0, s16;
	s31 =	sand.u32 $0x7FC0, s29  }
0x6a: {  	s15 =	sor.u32 $0x800, s15;
	s0 =	sadd.s32 s31, s0  }
0x6b: {  	[hbm4b:s0+s15] =	stream.strided.scatter [tilespmem:s19], [sflag:$0x2], $0x4000, s8, s15, $0x38;
	[tilespmem:$0x10000] =	vst v63  }
.LBB1_8:
0x6c: {  	_ =	sfence.sel $0x180000  }
0x6d: {  	s0 =	simm.s32 $0x1;
	[bflag:$0x0] =	sbarrier.arrive $0xFFFF  }
0x6e: {  	s31 =	simm.s32 $0x2;
	[sflag:s0] =	ssyncpa.u1 $0x1  }
0x6f: {  	[sflag:s31] =	ssyncpa.u1 $0x1  }
0x70: {  	_ =	strace $0x9000004A  }
0x71: {  	[bflag:$0x2] =	sbarrier.arrive $0xFFFF  }
0x72: {  	p0 =	sne.s32 s3, $0x0;
	s0 =	rddreg [dreg:$0x2]  }
0x73: {  	s0 =	sadd.s32 @!p0 $0x100000, s0  }
0x74: {  	[sflag:s0] =	ssyncadd.tile.s32 @!p0 $0x1;
	_ =	shalt  }
.Lfunc_end1:
_tile_overlayer_lowered:
.L_overlay_start_2:
0x75: {  	(tag) =	ssettag $0x2  }
0x76: {  	s0 =	rddreg [dreg:$0x0];
	s2 =	stileid.u32  }
0x77: {  	s1 =	rddreg [dreg:$0x1];
	p0 =	sne.s32 s2, $0x0  }
0x78: {  	s3 =	rddreg [dreg:$0x2];
	[bflag:$0x3] =	sbarrier.arrive $0xFFFF;
	s2 =	simm.s32 @!p0 $0x1C01  }
0x79: {  	[timem:s3], [sflag:s2] =	dma.local @!p0 [hbm:s0], s1  }
0x7a: {  	s0 =	simm.s32 @!p0 $0x1  }
0x7b: {  	_ =	swait.ge @!p0 [sflag:s0], s1  }
0x7c: {  	s1 =	ssub.s32 @!p0 $0x0, s1;
	[sflag:s0] =	ssyncset.done @!p0 $0x0  }
0x7d: {  	[sflag:s0] =	ssyncadd.s32 @!p0 s1  }
0x7e: {  	[bflag:$0x3] =	sbarrier.arrive $0xFFFF  }
0x7f: {  	_ =	shalt  }

</sc_bundles>
